<compile_context>
chip_gen: v7x
topology: tpu7x:2x2x1
jax: 0.10.2.dev20260603
libtpu: 0.0.44.dev20260713+nightly
codegen_flags: <defaults>
</compile_context>

<pallas_src>
import jax
import jax.numpy as jnp
from jax import lax
from jax.experimental import pallas as pl
from jax.experimental.pallas import tpu as pltpu
from jax.experimental.pallas import tpu_sc as plsc

_TM = 256
_NC = 2
_NS = 16


def _meta_body(idxc_ref, idxr_ref, aff_ref,
               pos_ref, affsel_ref, wg_ref, wt_ref, wlo_ref, whi_ref):
    T = idxc_ref.shape[0]
    E = aff_ref.shape[1]
    NT = wg_ref.shape[1]
    NTILES = T // _TM
    CH = 256

    idxc = idxc_ref[...]
    idxr = idxr_ref[...]
    aff = aff_ref[...]

    e_row = jax.lax.broadcasted_iota(jnp.int32, (T, E), 1)
    onehot = (idxc == e_row).astype(jnp.float32)
    e_col = jax.lax.broadcasted_iota(jnp.int32, (E, 1), 0)
    onehotT = (idxr == e_col).astype(jnp.float32)

    ones_t1 = jnp.ones((T, 1), jnp.float32)
    counts_col = jnp.dot(onehotT, ones_t1,
                         preferred_element_type=jnp.float32,
                         precision=jax.lax.Precision.HIGHEST)

    r_i = jax.lax.broadcasted_iota(jnp.int32, (CH, CH), 0)
    c_i = jax.lax.broadcasted_iota(jnp.int32, (CH, CH), 1)
    ltri = (r_i > c_i).astype(jnp.bfloat16)
    ones_chunk = jnp.ones((1, CH), jnp.float32)
    running = jnp.zeros((1, E), jnp.float32)
    rank_sel_chunks = []
    for c in range(T // CH):
        oh_c = onehot[c * CH:(c + 1) * CH, :]
        rank_c = jnp.dot(ltri, oh_c.astype(jnp.bfloat16),
                         preferred_element_type=jnp.float32) + running
        rank_sel_chunks.append(
            jnp.sum(oh_c * rank_c, axis=1, keepdims=True))
        running = running + jnp.dot(ones_chunk, oh_c,
                                    preferred_element_type=jnp.float32,
                                    precision=jax.lax.Precision.HIGHEST)
    rank_sel = jnp.concatenate(rank_sel_chunks, axis=0)

    le = jax.lax.broadcasted_iota(jnp.int32, (E, E), 0)
    lc = jax.lax.broadcasted_iota(jnp.int32, (E, E), 1)
    l64 = (lc < le).astype(jnp.float32)
    starts_col = jnp.dot(l64, counts_col,
                         preferred_element_type=jnp.float32,
                         precision=jax.lax.Precision.HIGHEST)
    ends_col = starts_col + counts_col

    starts_sel = jnp.dot(onehot, starts_col,
                         preferred_element_type=jnp.float32,
                         precision=jax.lax.Precision.HIGHEST)
    pos_ref[...] = (starts_sel + rank_sel).astype(jnp.int32)
    affsel = jnp.sum(onehot * aff, axis=1, keepdims=True)
    affsel_ref[...] = jnp.broadcast_to(affsel, affsel_ref.shape)

    counts_i = counts_col.astype(jnp.int32)
    starts_i = starts_col.astype(jnp.int32)
    ends_i = ends_col.astype(jnp.int32)
    first_t = starts_i // _TM
    last_p1 = (ends_i + _TM - 1) // _TM
    ntiles = jnp.where(counts_i > 0, last_p1 - first_t, 0)
    base_col = jnp.dot(l64, ntiles.astype(jnp.float32),
                       preferred_element_type=jnp.float32,
                       precision=jax.lax.Precision.HIGHEST).astype(jnp.int32)
    total = jnp.sum(ntiles)

    i_iota = jax.lax.broadcasted_iota(jnp.int32, (1, NT), 1)
    cmp = (base_col <= i_iota).astype(jnp.float32)
    g_row = jnp.sum(cmp, axis=0, keepdims=True).astype(jnp.int32) - 1
    g_row = jnp.clip(g_row, 0, E - 1)
    oh_g = (e_col == g_row).astype(jnp.float32)

    def colsel(v_col):
        return jnp.sum(oh_g * v_col, axis=0, keepdims=True)

    first_sel = colsel(first_t.astype(jnp.float32)).astype(jnp.int32)
    base_sel = colsel(base_col.astype(jnp.float32)).astype(jnp.int32)
    gs_sel = colsel(starts_col).astype(jnp.int32)
    ge_sel = colsel(ends_col).astype(jnp.int32)

    tile = jnp.clip(first_sel + (i_iota - base_sel), 0, NTILES - 1)
    lo = jnp.maximum(gs_sel, tile * _TM)
    hi = jnp.minimum(ge_sel, tile * _TM + _TM)
    hi = jnp.maximum(hi, lo)
    hi = jnp.where(i_iota < total, hi, lo)

    wg_ref[...] = g_row
    wt_ref[...] = tile
    wlo_ref[...] = lo
    whi_ref[...] = hi


def _sc_dispatch_body(x_hbm, aff_hbm, pos_hbm, xs_hbm, affs_hbm,
                      idx_v, rows_v, aff_v, sem, sem2):
    T, H = x_hbm.shape
    rpw = T // (_NC * _NS)
    wid = lax.axis_index("s") * _NC + lax.axis_index("c")
    base = wid * rpw
    pltpu.sync_copy(pos_hbm.at[pl.ds(base, rpw)], idx_v)
    pltpu.sync_copy(x_hbm.at[pl.ds(base, rpw)], rows_v)
    pltpu.sync_copy(aff_hbm.at[pl.ds(base, rpw)], aff_v)
    cp1 = pltpu.async_copy(rows_v, xs_hbm.at[idx_v], sem)
    cp2 = pltpu.async_copy(aff_v, affs_hbm.at[idx_v], sem2)
    cp1.wait()
    cp2.wait()


def _sc_combine_body(y_hbm, pos_hbm, out_hbm, idx_v, rows_v, sem):
    T, H = y_hbm.shape
    rpw = T // (_NC * _NS)
    wid = lax.axis_index("s") * _NC + lax.axis_index("c")
    base = wid * rpw
    pltpu.sync_copy(pos_hbm.at[pl.ds(base, rpw)], idx_v)
    pltpu.async_copy(y_hbm.at[idx_v], rows_v, sem).wait()
    pltpu.sync_copy(rows_v, out_hbm.at[pl.ds(base, rpw), 0])


def _gmm_body(wg_ref, wt_ref, wlo_ref, whi_ref,
              x_ref, aff_ref, wgw_ref, wuw_ref, wdw_ref, y_ref):
    i = pl.program_id(0)
    tile = wt_ref[i]
    lo = wlo_ref[i]
    hi = whi_ref[i]
    gidx = tile * _TM + jax.lax.broadcasted_iota(jnp.int32, (_TM, 1), 0)
    m = (gidx >= lo) & (gidx < hi)
    xb = x_ref[...].astype(jnp.bfloat16)
    affb = aff_ref[:, 0:1]
    g = jnp.dot(xb, wgw_ref[0].astype(jnp.bfloat16),
                preferred_element_type=jnp.float32)
    u = jnp.dot(xb, wuw_ref[0].astype(jnp.bfloat16),
                preferred_element_type=jnp.float32)
    h = (g * jax.nn.sigmoid(g) * u).astype(jnp.bfloat16)
    y = jnp.dot(h, wdw_ref[0].astype(jnp.bfloat16),
                preferred_element_type=jnp.float32)
    y_ref[...] = jnp.where(m, y * affb, y_ref[...])


def kernel(hidden_states, expert_affinities, expert_index, W_gate, W_up, W_down):
    S, B, H = hidden_states.shape
    T = S * B
    E, _, I = W_gate.shape
    NTILES = T // _TM
    NT = NTILES + E - 1
    AW = 128

    x = hidden_states.reshape(T, H)
    idx = expert_index.reshape(T).astype(jnp.int32)
    idx_col = idx.reshape(T, 1)
    idx_row = idx.reshape(1, T)

    pos, aff128, wg, wt, wlo, whi = pl.pallas_call(
        _meta_body,
        out_shape=[
            jax.ShapeDtypeStruct((T, 1), jnp.int32),
            jax.ShapeDtypeStruct((T, AW), jnp.float32),
            jax.ShapeDtypeStruct((1, NT), jnp.int32),
            jax.ShapeDtypeStruct((1, NT), jnp.int32),
            jax.ShapeDtypeStruct((1, NT), jnp.int32),
            jax.ShapeDtypeStruct((1, NT), jnp.int32),
        ],
    )(idx_col, idx_row, expert_affinities)

    pos1 = pos.reshape(T)
    wg1 = wg.reshape(NT)
    wt1 = wt.reshape(NT)
    wlo1 = wlo.reshape(NT)
    whi1 = whi.reshape(NT)

    mesh = plsc.VectorSubcoreMesh(core_axis_name="c", subcore_axis_name="s")
    rpw = T // (_NC * _NS)
    x_sorted, aff_sorted = pl.kernel(
        _sc_dispatch_body,
        out_type=[
            jax.ShapeDtypeStruct((T, H), jnp.float32),
            jax.ShapeDtypeStruct((T, AW), jnp.float32),
        ],
        mesh=mesh,
        compiler_params=pltpu.CompilerParams(use_tc_tiling_on_sc=True),
        scratch_types=[
            pltpu.VMEM((rpw,), jnp.int32),
            pltpu.VMEM((rpw, H), jnp.float32),
            pltpu.VMEM((rpw, AW), jnp.float32),
            pltpu.SemaphoreType.DMA,
            pltpu.SemaphoreType.DMA,
        ],
    )(x, aff128, pos1)

    grid_spec = pltpu.PrefetchScalarGridSpec(
        num_scalar_prefetch=4,
        grid=(NT,),
        in_specs=[
            pl.BlockSpec((_TM, H), lambda i, wg, wt, wlo, whi: (wt[i], 0)),
            pl.BlockSpec((_TM, AW), lambda i, wg, wt, wlo, whi: (wt[i], 0)),
            pl.BlockSpec((1, H, I), lambda i, wg, wt, wlo, whi: (wg[i], 0, 0)),
            pl.BlockSpec((1, H, I), lambda i, wg, wt, wlo, whi: (wg[i], 0, 0)),
            pl.BlockSpec((1, I, H), lambda i, wg, wt, wlo, whi: (wg[i], 0, 0)),
        ],
        out_specs=pl.BlockSpec((_TM, H), lambda i, wg, wt, wlo, whi: (wt[i], 0)),
    )
    y_sorted = pl.pallas_call(
        _gmm_body,
        grid_spec=grid_spec,
        out_shape=jax.ShapeDtypeStruct((T, H), jnp.float32),
        compiler_params=pltpu.CompilerParams(
            dimension_semantics=("arbitrary",)),
    )(wg1, wt1, wlo1, whi1, x_sorted, aff_sorted, W_gate, W_up, W_down)

    out = pl.kernel(
        _sc_combine_body,
        out_type=jax.ShapeDtypeStruct((S, B, H), jnp.float32),
        mesh=mesh,
        compiler_params=pltpu.CompilerParams(use_tc_tiling_on_sc=True),
        scratch_types=[
            pltpu.VMEM((rpw,), jnp.int32),
            pltpu.VMEM((rpw, H), jnp.float32),
            pltpu.SemaphoreType.DMA,
        ],
    )(y_sorted, pos1)

    return out

# --- scband reference (transcript-rebuilt; emitter-appended) ---
"""Pipeline reference for scband-expert-mlps-base-44805098832175 (READ-ONLY COPY).

The authoritative reference and input builder live on the scoring server;
editing this copy changes nothing except your own understanding.
"""

import jax, jax.numpy as jnp
import numpy as np

NUM_EXPERTS = 64
TOP_K = 1
HIDDEN = 768
INTER = 1024
SEQ = 2048
BATCH = 1


def setup_inputs(seed: int = 0) -> dict:
    key = jax.random.key(seed)
    k1, k2, k3, k4, k5, k6 = jax.random.split(key, 6)
    hidden_states = jax.random.normal(k1, (SEQ, BATCH, HIDDEN), dtype=jnp.float32)
    expert_affinities = jax.random.uniform(k2, (SEQ * BATCH, NUM_EXPERTS), dtype=jnp.float32)
    expert_index = jax.random.randint(k3, (SEQ * BATCH, TOP_K), 0, NUM_EXPERTS, dtype=jnp.int64 if jax.config.jax_enable_x64 else jnp.int32)
    W_gate = jax.random.normal(k4, (NUM_EXPERTS, HIDDEN, INTER), dtype=jnp.float32) * 0.02
    W_up = jax.random.normal(k5, (NUM_EXPERTS, HIDDEN, INTER), dtype=jnp.float32) * 0.02
    W_down = jax.random.normal(k6, (NUM_EXPERTS, INTER, HIDDEN), dtype=jnp.float32) * 0.02
    return {
        "hidden_states": hidden_states,
        "expert_affinities": expert_affinities,
        "expert_index": expert_index,
        "W_gate": W_gate,
        "W_up": W_up,
        "W_down": W_down,
    }


def reference(hidden_states, expert_affinities, expert_index, W_gate, W_up, W_down):
    # Faithful ExpertMLPs forward ('index' permute strategy, glu_mlp=True, silu act):
    # for each expert, gather assigned tokens, run gated MLP, scale by affinity,
    # scatter-add back into the output.
    S, B, H = hidden_states.shape
    T = S * B
    x = hidden_states.reshape(T, H)
    out = jnp.zeros((T, H), dtype=x.dtype)
    E = W_gate.shape[0]
    top_k = expert_index.shape[1]

    def body(e, acc):
        mask = (expert_index == e).any(axis=1)
        xe = jnp.where(mask[:, None], x, jnp.zeros((), dtype=x.dtype))
        gate = jax.nn.silu(xe @ W_gate[e])
        up = xe @ W_up[e]
        ye = (gate * up) @ W_down[e]
        aff = expert_affinities[:, e][:, None]
        return acc + jnp.where(mask[:, None], ye * aff, jnp.zeros((), dtype=x.dtype))

    out = jax.lax.fori_loop(0, E, body, out)
    return out.reshape(S, B, H)

if __name__ == "__main__":
    import jax
    _d = setup_inputs()
    print(jax.jit(kernel)(*tuple(_d.values())))

</pallas_src>

<mosaic_0001>
#map = affine_map<(d0, d1) -> (0, 0)>
#map1 = affine_map<(d0, d1) -> (0)>
#map2 = affine_map<(d0, d1) -> (0, 0, 0)>
module attributes {stable_mosaic.version = 14 : i64} {
  func.func @_sc_combine_body(%arg0: i32, %arg1: i32, %arg2: memref<2048x768xf32, #tpu.memory_space<hbm>>, %arg3: memref<2048xi32, #tpu.memory_space<hbm>>, %arg4: memref<2048x1x768xf32, #tpu.memory_space<hbm>>, %arg5: memref<64xi32, #tpu.memory_space<vmem>>, %arg6: memref<64x768xf32, #tpu.memory_space<vmem>>, %arg7: memref<!tpu.dma_semaphore, #tpu.memory_space<semaphore_mem>>) attributes {dimension_semantics = [#tpu.dimension_semantics<core_parallel>, #tpu.dimension_semantics<subcore_parallel>], iteration_bounds = array<i64: 2, 16>, scalar_prefetch = 0 : i64, scratch_operands = 3 : i64, tpu.core_type = #tpu.core_type<sc_vector_subcore>, window_params = [{transform_indices = #map}, {transform_indices = #map1}, {transform_indices = #map2}]} {
    %mul3A = arith.constant 2 : i32
    %mul3A_0 = arith.muli %arg1, %mul3A : i32
    %add3A = arith.addi %mul3A_0, %arg0 : i32
    %mul3A_1 = arith.constant 64 : i32
    %mul3A_2 = arith.muli %add3A, %mul3A_1 : i32
    "tpu.region"() ({
      %run_scoped3A_7 = tpu.sem_alloc : memref<!tpu.dma_semaphore, #tpu.memory_space<semaphore_mem>>
      %dma_start3A_8 = tpu.memref_slice %arg3[%mul3A_2] : memref<2048xi32, #tpu.memory_space<hbm>> -> memref<64xi32, #tpu.memory_space<hbm>>
      %dma_start3A_9 = tpu.memref_slice %arg3[%mul3A_2] : memref<2048xi32, #tpu.memory_space<hbm>> -> memref<64xi32, #tpu.memory_space<hbm>>
      tpu.enqueue_dma source(%dma_start3A_9 : memref<64xi32, #tpu.memory_space<hbm>>) target(%arg5 : memref<64xi32, #tpu.memory_space<vmem>>) target_semaphore(%run_scoped3A_7 : memref<!tpu.dma_semaphore, #tpu.memory_space<semaphore_mem>>)
      %dma_wait3A_10 = tpu.memref_slice %arg3[%mul3A_2] : memref<2048xi32, #tpu.memory_space<hbm>> -> memref<64xi32, #tpu.memory_space<hbm>>
      %dma_wait3A_11 = tpu.memref_slice %arg3[%mul3A_2] : memref<2048xi32, #tpu.memory_space<hbm>> -> memref<64xi32, #tpu.memory_space<hbm>>
      tpu.wait_dma2 semaphore(%run_scoped3A_7 : memref<!tpu.dma_semaphore, #tpu.memory_space<semaphore_mem>>) src(%dma_wait3A_11 : memref<64xi32, #tpu.memory_space<hbm>>) dst(%arg5 : memref<64xi32, #tpu.memory_space<vmem>>)
      tpu.yield
    }) : () -> ()
    %dma_start3A = arith.constant 0 : i32
    %dma_start3A_3 = arith.constant 0 : i32
    %dma_start3A_4 = tpu.memref_slice %arg2[%dma_start3A, %dma_start3A_3] : memref<2048x768xf32, #tpu.memory_space<hbm>> -> memref<2048x768xf32, #tpu.memory_space<hbm>>
    tpu.enqueue_indirect_dma source(%dma_start3A_4 : memref<2048x768xf32, #tpu.memory_space<hbm>>) target(%arg6 : memref<64x768xf32, #tpu.memory_space<vmem>>) offsets(%arg5 : memref<64xi32, #tpu.memory_space<vmem>>) semaphore(%arg7 : memref<!tpu.dma_semaphore, #tpu.memory_space<semaphore_mem>>)
    %dma_wait3A = arith.constant 0 : i32
    %dma_wait3A_5 = arith.constant 0 : i32
    %dma_wait3A_6 = tpu.memref_slice %arg2[%dma_wait3A, %dma_wait3A_5] : memref<2048x768xf32, #tpu.memory_space<hbm>> -> memref<2048x768xf32, #tpu.memory_space<hbm>>
    tpu.wait_indirect_dma semaphore(%arg7 : memref<!tpu.dma_semaphore, #tpu.memory_space<semaphore_mem>>) src(%dma_wait3A_6 : memref<2048x768xf32, #tpu.memory_space<hbm>>) dst(%arg6 : memref<64x768xf32, #tpu.memory_space<vmem>>)
    %run_scoped3A = arith.constant 0 : i32
    "tpu.region"() ({
      %run_scoped3A_7 = tpu.sem_alloc : memref<!tpu.dma_semaphore, #tpu.memory_space<semaphore_mem>>
      %dma_start3A_8 = arith.constant 0 : i32
      %dma_start3A_9 = tpu.memref_slice %arg4[%mul3A_2, %run_scoped3A, %dma_start3A_8] : memref<2048x1x768xf32, #tpu.memory_space<hbm>> -> memref<64x1x768xf32, #tpu.memory_space<hbm>>
      %dma_start3A_10 = tpu.memref_squeeze %dma_start3A_9 : memref<64x1x768xf32, #tpu.memory_space<hbm>> -> memref<64x768xf32, #tpu.memory_space<hbm>>
      %dma_start3A_11 = arith.constant 0 : i32
      %dma_start3A_12 = tpu.memref_slice %arg4[%mul3A_2, %run_scoped3A, %dma_start3A_11] : memref<2048x1x768xf32, #tpu.memory_space<hbm>> -> memref<64x1x768xf32, #tpu.memory_space<hbm>>
      %dma_start3A_13 = tpu.memref_squeeze %dma_start3A_12 : memref<64x1x768xf32, #tpu.memory_space<hbm>> -> memref<64x768xf32, #tpu.memory_space<hbm>>
      tpu.enqueue_dma source(%arg6 : memref<64x768xf32, #tpu.memory_space<vmem>>) target(%dma_start3A_13 : memref<64x768xf32, #tpu.memory_space<hbm>>) target_semaphore(%run_scoped3A_7 : memref<!tpu.dma_semaphore, #tpu.memory_space<semaphore_mem>>)
      %dma_wait3A_14 = arith.constant 0 : i32
      %dma_wait3A_15 = tpu.memref_slice %arg4[%mul3A_2, %run_scoped3A, %dma_wait3A_14] : memref<2048x1x768xf32, #tpu.memory_space<hbm>> -> memref<64x1x768xf32, #tpu.memory_space<hbm>>
      %dma_wait3A_16 = tpu.memref_squeeze %dma_wait3A_15 : memref<64x1x768xf32, #tpu.memory_space<hbm>> -> memref<64x768xf32, #tpu.memory_space<hbm>>
      %dma_wait3A_17 = arith.constant 0 : i32
      %dma_wait3A_18 = tpu.memref_slice %arg4[%mul3A_2, %run_scoped3A, %dma_wait3A_17] : memref<2048x1x768xf32, #tpu.memory_space<hbm>> -> memref<64x1x768xf32, #tpu.memory_space<hbm>>
      %dma_wait3A_19 = tpu.memref_squeeze %dma_wait3A_18 : memref<64x1x768xf32, #tpu.memory_space<hbm>> -> memref<64x768xf32, #tpu.memory_space<hbm>>
      tpu.wait_dma2 semaphore(%run_scoped3A_7 : memref<!tpu.dma_semaphore, #tpu.memory_space<semaphore_mem>>) src(%arg6 : memref<64x768xf32, #tpu.memory_space<vmem>>) dst(%dma_wait3A_19 : memref<64x768xf32, #tpu.memory_space<hbm>>)
      tpu.yield
    }) : () -> ()
    return
  }
}

#map = affine_map<(d0, d1) -> (0, 0)>
#map1 = affine_map<(d0, d1) -> (0)>
module attributes {stable_mosaic.version = 14 : i64} {
  func.func @_sc_dispatch_body(%arg0: i32, %arg1: i32, %arg2: memref<2048x768xf32, #tpu.memory_space<hbm>>, %arg3: memref<2048x128xf32, #tpu.memory_space<hbm>>, %arg4: memref<2048xi32, #tpu.memory_space<hbm>>, %arg5: memref<2048x768xf32, #tpu.memory_space<hbm>>, %arg6: memref<2048x128xf32, #tpu.memory_space<hbm>>, %arg7: memref<64xi32, #tpu.memory_space<vmem>>, %arg8: memref<64x768xf32, #tpu.memory_space<vmem>>, %arg9: memref<64x128xf32, #tpu.memory_space<vmem>>, %arg10: memref<!tpu.dma_semaphore, #tpu.memory_space<semaphore_mem>>, %arg11: memref<!tpu.dma_semaphore, #tpu.memory_space<semaphore_mem>>) attributes {dimension_semantics = [#tpu.dimension_semantics<core_parallel>, #tpu.dimension_semantics<subcore_parallel>], iteration_bounds = array<i64: 2, 16>, scalar_prefetch = 0 : i64, scratch_operands = 5 : i64, tpu.core_type = #tpu.core_type<sc_vector_subcore>, window_params = [{transform_indices = #map}, {transform_indices = #map}, {transform_indices = #map1}, {transform_indices = #map}, {transform_indices = #map}]} {
    %mul3A = arith.constant 2 : i32
    %mul3A_0 = arith.muli %arg1, %mul3A : i32
    %add3A = arith.addi %mul3A_0, %arg0 : i32
    %mul3A_1 = arith.constant 64 : i32
    %mul3A_2 = arith.muli %add3A, %mul3A_1 : i32
    "tpu.region"() ({
      %run_scoped3A = tpu.sem_alloc : memref<!tpu.dma_semaphore, #tpu.memory_space<semaphore_mem>>
      %dma_start3A_13 = tpu.memref_slice %arg4[%mul3A_2] : memref<2048xi32, #tpu.memory_space<hbm>> -> memref<64xi32, #tpu.memory_space<hbm>>
      %dma_start3A_14 = tpu.memref_slice %arg4[%mul3A_2] : memref<2048xi32, #tpu.memory_space<hbm>> -> memref<64xi32, #tpu.memory_space<hbm>>
      tpu.enqueue_dma source(%dma_start3A_14 : memref<64xi32, #tpu.memory_space<hbm>>) target(%arg7 : memref<64xi32, #tpu.memory_space<vmem>>) target_semaphore(%run_scoped3A : memref<!tpu.dma_semaphore, #tpu.memory_space<semaphore_mem>>)
      %dma_wait3A_15 = tpu.memref_slice %arg4[%mul3A_2] : memref<2048xi32, #tpu.memory_space<hbm>> -> memref<64xi32, #tpu.memory_space<hbm>>
      %dma_wait3A_16 = tpu.memref_slice %arg4[%mul3A_2] : memref<2048xi32, #tpu.memory_space<hbm>> -> memref<64xi32, #tpu.memory_space<hbm>>
      tpu.wait_dma2 semaphore(%run_scoped3A : memref<!tpu.dma_semaphore, #tpu.memory_space<semaphore_mem>>) src(%dma_wait3A_16 : memref<64xi32, #tpu.memory_space<hbm>>) dst(%arg7 : memref<64xi32, #tpu.memory_space<vmem>>)
      tpu.yield
    }) : () -> ()
    "tpu.region"() ({
      %run_scoped3A = tpu.sem_alloc : memref<!tpu.dma_semaphore, #tpu.memory_space<semaphore_mem>>
      %dma_start3A_13 = arith.constant 0 : i32
      %dma_start3A_14 = tpu.memref_slice %arg2[%mul3A_2, %dma_start3A_13] : memref<2048x768xf32, #tpu.memory_space<hbm>> -> memref<64x768xf32, #tpu.memory_space<hbm>>
      %dma_start3A_15 = arith.constant 0 : i32
      %dma_start3A_16 = tpu.memref_slice %arg2[%mul3A_2, %dma_start3A_15] : memref<2048x768xf32, #tpu.memory_space<hbm>> -> memref<64x768xf32, #tpu.memory_space<hbm>>
      tpu.enqueue_dma source(%dma_start3A_16 : memref<64x768xf32, #tpu.memory_space<hbm>>) target(%arg8 : memref<64x768xf32, #tpu.memory_space<vmem>>) target_semaphore(%run_scoped3A : memref<!tpu.dma_semaphore, #tpu.memory_space<semaphore_mem>>)
      %dma_wait3A_17 = arith.constant 0 : i32
      %dma_wait3A_18 = tpu.memref_slice %arg2[%mul3A_2, %dma_wait3A_17] : memref<2048x768xf32, #tpu.memory_space<hbm>> -> memref<64x768xf32, #tpu.memory_space<hbm>>
      %dma_wait3A_19 = arith.constant 0 : i32
      %dma_wait3A_20 = tpu.memref_slice %arg2[%mul3A_2, %dma_wait3A_19] : memref<2048x768xf32, #tpu.memory_space<hbm>> -> memref<64x768xf32, #tpu.memory_space<hbm>>
      tpu.wait_dma2 semaphore(%run_scoped3A : memref<!tpu.dma_semaphore, #tpu.memory_space<semaphore_mem>>) src(%dma_wait3A_20 : memref<64x768xf32, #tpu.memory_space<hbm>>) dst(%arg8 : memref<64x768xf32, #tpu.memory_space<vmem>>)
      tpu.yield
    }) : () -> ()
    "tpu.region"() ({
      %run_scoped3A = tpu.sem_alloc : memref<!tpu.dma_semaphore, #tpu.memory_space<semaphore_mem>>
      %dma_start3A_13 = arith.constant 0 : i32
      %dma_start3A_14 = tpu.memref_slice %arg3[%mul3A_2, %dma_start3A_13] : memref<2048x128xf32, #tpu.memory_space<hbm>> -> memref<64x128xf32, #tpu.memory_space<hbm>>
      %dma_start3A_15 = arith.constant 0 : i32
      %dma_start3A_16 = tpu.memref_slice %arg3[%mul3A_2, %dma_start3A_15] : memref<2048x128xf32, #tpu.memory_space<hbm>> -> memref<64x128xf32, #tpu.memory_space<hbm>>
      tpu.enqueue_dma source(%dma_start3A_16 : memref<64x128xf32, #tpu.memory_space<hbm>>) target(%arg9 : memref<64x128xf32, #tpu.memory_space<vmem>>) target_semaphore(%run_scoped3A : memref<!tpu.dma_semaphore, #tpu.memory_space<semaphore_mem>>)
      %dma_wait3A_17 = arith.constant 0 : i32
      %dma_wait3A_18 = tpu.memref_slice %arg3[%mul3A_2, %dma_wait3A_17] : memref<2048x128xf32, #tpu.memory_space<hbm>> -> memref<64x128xf32, #tpu.memory_space<hbm>>
      %dma_wait3A_19 = arith.constant 0 : i32
      %dma_wait3A_20 = tpu.memref_slice %arg3[%mul3A_2, %dma_wait3A_19] : memref<2048x128xf32, #tpu.memory_space<hbm>> -> memref<64x128xf32, #tpu.memory_space<hbm>>
      tpu.wait_dma2 semaphore(%run_scoped3A : memref<!tpu.dma_semaphore, #tpu.memory_space<semaphore_mem>>) src(%dma_wait3A_20 : memref<64x128xf32, #tpu.memory_space<hbm>>) dst(%arg9 : memref<64x128xf32, #tpu.memory_space<vmem>>)
      tpu.yield
    }) : () -> ()
    %dma_start3A = arith.constant 0 : i32
    %dma_start3A_3 = arith.constant 0 : i32
    %dma_start3A_4 = tpu.memref_slice %arg5[%dma_start3A, %dma_start3A_3] : memref<2048x768xf32, #tpu.memory_space<hbm>> -> memref<2048x768xf32, #tpu.memory_space<hbm>>
    tpu.enqueue_indirect_dma source(%arg8 : memref<64x768xf32, #tpu.memory_space<vmem>>) target(%dma_start3A_4 : memref<2048x768xf32, #tpu.memory_space<hbm>>) offsets(%arg7 : memref<64xi32, #tpu.memory_space<vmem>>) semaphore(%arg10 : memref<!tpu.dma_semaphore, #tpu.memory_space<semaphore_mem>>)
    %dma_start3A_5 = arith.constant 0 : i32
    %dma_start3A_6 = arith.constant 0 : i32
    %dma_start3A_7 = tpu.memref_slice %arg6[%dma_start3A_5, %dma_start3A_6] : memref<2048x128xf32, #tpu.memory_space<hbm>> -> memref<2048x128xf32, #tpu.memory_space<hbm>>
    tpu.enqueue_indirect_dma source(%arg9 : memref<64x128xf32, #tpu.memory_space<vmem>>) target(%dma_start3A_7 : memref<2048x128xf32, #tpu.memory_space<hbm>>) offsets(%arg7 : memref<64xi32, #tpu.memory_space<vmem>>) semaphore(%arg11 : memref<!tpu.dma_semaphore, #tpu.memory_space<semaphore_mem>>)
    %dma_wait3A = arith.constant 0 : i32
    %dma_wait3A_8 = arith.constant 0 : i32
    %dma_wait3A_9 = tpu.memref_slice %arg5[%dma_wait3A, %dma_wait3A_8] : memref<2048x768xf32, #tpu.memory_space<hbm>> -> memref<2048x768xf32, #tpu.memory_space<hbm>>
    tpu.wait_indirect_dma semaphore(%arg10 : memref<!tpu.dma_semaphore, #tpu.memory_space<semaphore_mem>>) src(%arg8 : memref<64x768xf32, #tpu.memory_space<vmem>>) dst(%dma_wait3A_9 : memref<2048x768xf32, #tpu.memory_space<hbm>>)
    %dma_wait3A_10 = arith.constant 0 : i32
    %dma_wait3A_11 = arith.constant 0 : i32
    %dma_wait3A_12 = tpu.memref_slice %arg6[%dma_wait3A_10, %dma_wait3A_11] : memref<2048x128xf32, #tpu.memory_space<hbm>> -> memref<2048x128xf32, #tpu.memory_space<hbm>>
    tpu.wait_indirect_dma semaphore(%arg11 : memref<!tpu.dma_semaphore, #tpu.memory_space<semaphore_mem>>) src(%arg9 : memref<64x128xf32, #tpu.memory_space<vmem>>) dst(%dma_wait3A_12 : memref<2048x128xf32, #tpu.memory_space<hbm>>)
    return
  }
}

module attributes {stable_mosaic.version = 14 : i64} {
  func.func @_meta_body(%arg0: memref<2048x1xi32, #tpu.memory_space<vmem>>, %arg1: memref<1x2048xi32, #tpu.memory_space<vmem>>, %arg2: memref<2048x64xf32, #tpu.memory_space<vmem>>, %arg3: memref<2048x1xi32, #tpu.memory_space<vmem>>, %arg4: memref<2048x128xf32, #tpu.memory_space<vmem>>, %arg5: memref<1x71xi32, #tpu.memory_space<vmem>>, %arg6: memref<1x71xi32, #tpu.memory_space<vmem>>, %arg7: memref<1x71xi32, #tpu.memory_space<vmem>>, %arg8: memref<1x71xi32, #tpu.memory_space<vmem>>) attributes {dimension_semantics = [], scalar_prefetch = 0 : i64, scratch_operands = 0 : i64, tpu.core_type = #tpu.core_type<tc>} {
    %get3A = arith.constant 0 : index
    %get3A_0 = arith.constant 0 : index
    %get3A_1 = vector.load %arg0[%get3A, %get3A_0] : memref<2048x1xi32, #tpu.memory_space<vmem>>, vector<2048x1xi32>
    %get3A_2 = arith.constant 0 : index
    %get3A_3 = arith.constant 0 : index
    %get3A_4 = vector.load %arg1[%get3A_2, %get3A_3] : memref<1x2048xi32, #tpu.memory_space<vmem>>, vector<1x2048xi32>
    %get3A_5 = arith.constant 0 : index
    %get3A_6 = arith.constant 0 : index
    %get3A_7 = vector.load %arg2[%get3A_5, %get3A_6] : memref<2048x64xf32, #tpu.memory_space<vmem>>, vector<2048x64xf32>
    %iota3A = tpu.iota {dimensions = array<i32: 1>} : vector<2048x64xi32>
    %eq3A = vector.broadcast %get3A_1 : vector<2048x1xi32> to vector<2048x64xi32>
    %eq3A_8 = arith.cmpi eq, %eq3A, %iota3A : vector<2048x64xi32>
    %convert_element_type3A = arith.extui %eq3A_8 : vector<2048x64xi1> to vector<2048x64xi32>
    %convert_element_type3A_9 = arith.sitofp %convert_element_type3A : vector<2048x64xi32> to vector<2048x64xf32>
    %iota3A_10 = tpu.iota {dimensions = array<i32: 0>} : vector<64x1xi32>
    %eq3A_11 = vector.broadcast %get3A_4 : vector<1x2048xi32> to vector<64x2048xi32>
    %eq3A_12 = vector.broadcast %iota3A_10 : vector<64x1xi32> to vector<64x2048xi32>
    %eq3A_13 = arith.cmpi eq, %eq3A_11, %eq3A_12 : vector<64x2048xi32>
    %convert_element_type3A_14 = arith.extui %eq3A_13 : vector<64x2048xi1> to vector<64x2048xi32>
    %convert_element_type3A_15 = arith.sitofp %convert_element_type3A_14 : vector<64x2048xi32> to vector<64x2048xf32>
    %broadcast_in_dim3A = arith.constant 1.000000e+00 : f32
    %broadcast_in_dim3A_16 = vector.broadcast %broadcast_in_dim3A : f32 to vector<2048x1xf32>
    %dot_general3A = arith.constant dense<0.000000e+00> : vector<64x1xf32>
    %dot_general3A_17 = tpu.matmul %convert_element_type3A_15, %broadcast_in_dim3A_16, %dot_general3A {dimension_numbers = #tpu.dot_dimension_numbers<[1], [0], [0], [1], [0, 0, 1, 1], [], []>, precision = #tpu.contract_precision<fp32>, transpose_lhs_hint = false} : vector<64x2048xf32>, vector<2048x1xf32>, vector<64x1xf32> -> vector<64x1xf32>
    %iota3A_18 = tpu.iota {dimensions = array<i32: 0>} : vector<256x256xi32>
    %iota3A_19 = tpu.iota {dimensions = array<i32: 1>} : vector<256x256xi32>
    %gt3A = arith.cmpi sgt, %iota3A_18, %iota3A_19 : vector<256x256xi32>
    %convert_element_type3A_20 = arith.extui %gt3A : vector<256x256xi1> to vector<256x256xi32>
    %convert_element_type3A_21 = arith.sitofp %convert_element_type3A_20 : vector<256x256xi32> to vector<256x256xf32>
    %convert_element_type3A_22 = arith.truncf %convert_element_type3A_21 : vector<256x256xf32> to vector<256x256xbf16>
    %broadcast_in_dim3A_23 = arith.constant 1.000000e+00 : f32
    %broadcast_in_dim3A_24 = vector.broadcast %broadcast_in_dim3A_23 : f32 to vector<1x256xf32>
    %broadcast_in_dim3A_25 = arith.constant 0.000000e+00 : f32
    %broadcast_in_dim3A_26 = vector.broadcast %broadcast_in_dim3A_25 : f32 to vector<1x64xf32>
    %slice3A = vector.extract_strided_slice %convert_element_type3A_9 {offsets = [0, 0], sizes = [256, 64], strides = [1, 1]} : vector<2048x64xf32> to vector<256x64xf32>
    %convert_element_type3A_27 = arith.truncf %slice3A : vector<256x64xf32> to vector<256x64xbf16>
    %dot_general3A_28 = arith.constant dense<0.000000e+00> : vector<256x64xf32>
    %dot_general3A_29 = tpu.matmul %convert_element_type3A_22, %convert_element_type3A_27, %dot_general3A_28 {dimension_numbers = #tpu.dot_dimension_numbers<[1], [0], [0], [1], [0, 0, 1, 1], [], []>, transpose_lhs_hint = false} : vector<256x256xbf16>, vector<256x64xbf16>, vector<256x64xf32> -> vector<256x64xf32>
    %add3A = vector.broadcast %broadcast_in_dim3A_26 : vector<1x64xf32> to vector<256x64xf32>
    %add3A_30 = arith.addf %dot_general3A_29, %add3A : vector<256x64xf32>
    %mul3A = arith.mulf %slice3A, %add3A_30 : vector<256x64xf32>
    %reduce_sum3A = arith.constant dense<0.000000e+00> : vector<256xf32>
    %reduce_sum3A_31 = vector.multi_reduction <add>, %mul3A, %reduce_sum3A [1] : vector<256x64xf32> to vector<256xf32>
    %broadcast_in_dim3A_32 = vector.shape_cast %reduce_sum3A_31 : vector<256xf32> to vector<256x1xf32>
    %dot_general3A_33 = arith.constant dense<0.000000e+00> : vector<1x64xf32>
    %dot_general3A_34 = tpu.matmul %broadcast_in_dim3A_24, %slice3A, %dot_general3A_33 {dimension_numbers = #tpu.dot_dimension_numbers<[1], [0], [0], [1], [0, 0, 1, 1], [], []>, precision = #tpu.contract_precision<fp32>, transpose_lhs_hint = false} : vector<1x256xf32>, vector<256x64xf32>, vector<1x64xf32> -> vector<1x64xf32>
    %add3A_35 = arith.addf %broadcast_in_dim3A_26, %dot_general3A_34 : vector<1x64xf32>
    %slice3A_36 = vector.extract_strided_slice %convert_element_type3A_9 {offsets = [256, 0], sizes = [256, 64], strides = [1, 1]} : vector<2048x64xf32> to vector<256x64xf32>
    %convert_element_type3A_37 = arith.truncf %slice3A_36 : vector<256x64xf32> to vector<256x64xbf16>
    %dot_general3A_38 = arith.constant dense<0.000000e+00> : vector<256x64xf32>
    %dot_general3A_39 = tpu.matmul %convert_element_type3A_22, %convert_element_type3A_37, %dot_general3A_38 {dimension_numbers = #tpu.dot_dimension_numbers<[1], [0], [0], [1], [0, 0, 1, 1], [], []>, transpose_lhs_hint = false} : vector<256x256xbf16>, vector<256x64xbf16>, vector<256x64xf32> -> vector<256x64xf32>
    %add3A_40 = vector.broadcast %add3A_35 : vector<1x64xf32> to vector<256x64xf32>
    %add3A_41 = arith.addf %dot_general3A_39, %add3A_40 : vector<256x64xf32>
    %mul3A_42 = arith.mulf %slice3A_36, %add3A_41 : vector<256x64xf32>
    %reduce_sum3A_43 = arith.constant dense<0.000000e+00> : vector<256xf32>
    %reduce_sum3A_44 = vector.multi_reduction <add>, %mul3A_42, %reduce_sum3A_43 [1] : vector<256x64xf32> to vector<256xf32>
    %broadcast_in_dim3A_45 = vector.shape_cast %reduce_sum3A_44 : vector<256xf32> to vector<256x1xf32>
    %dot_general3A_46 = arith.constant dense<0.000000e+00> : vector<1x64xf32>
    %dot_general3A_47 = tpu.matmul %broadcast_in_dim3A_24, %slice3A_36, %dot_general3A_46 {dimension_numbers = #tpu.dot_dimension_numbers<[1], [0], [0], [1], [0, 0, 1, 1], [], []>, precision = #tpu.contract_precision<fp32>, transpose_lhs_hint = false} : vector<1x256xf32>, vector<256x64xf32>, vector<1x64xf32> -> vector<1x64xf32>
    %add3A_48 = arith.addf %add3A_35, %dot_general3A_47 : vector<1x64xf32>
    %slice3A_49 = vector.extract_strided_slice %convert_element_type3A_9 {offsets = [512, 0], sizes = [256, 64], strides = [1, 1]} : vector<2048x64xf32> to vector<256x64xf32>
    %convert_element_type3A_50 = arith.truncf %slice3A_49 : vector<256x64xf32> to vector<256x64xbf16>
    %dot_general3A_51 = arith.constant dense<0.000000e+00> : vector<256x64xf32>
    %dot_general3A_52 = tpu.matmul %convert_element_type3A_22, %convert_element_type3A_50, %dot_general3A_51 {dimension_numbers = #tpu.dot_dimension_numbers<[1], [0], [0], [1], [0, 0, 1, 1], [], []>, transpose_lhs_hint = false} : vector<256x256xbf16>, vector<256x64xbf16>, vector<256x64xf32> -> vector<256x64xf32>
    %add3A_53 = vector.broadcast %add3A_48 : vector<1x64xf32> to vector<256x64xf32>
    %add3A_54 = arith.addf %dot_general3A_52, %add3A_53 : vector<256x64xf32>
    %mul3A_55 = arith.mulf %slice3A_49, %add3A_54 : vector<256x64xf32>
    %reduce_sum3A_56 = arith.constant dense<0.000000e+00> : vector<256xf32>
    %reduce_sum3A_57 = vector.multi_reduction <add>, %mul3A_55, %reduce_sum3A_56 [1] : vector<256x64xf32> to vector<256xf32>
    %broadcast_in_dim3A_58 = vector.shape_cast %reduce_sum3A_57 : vector<256xf32> to vector<256x1xf32>
    %dot_general3A_59 = arith.constant dense<0.000000e+00> : vector<1x64xf32>
    %dot_general3A_60 = tpu.matmul %broadcast_in_dim3A_24, %slice3A_49, %dot_general3A_59 {dimension_numbers = #tpu.dot_dimension_numbers<[1], [0], [0], [1], [0, 0, 1, 1], [], []>, precision = #tpu.contract_precision<fp32>, transpose_lhs_hint = false} : vector<1x256xf32>, vector<256x64xf32>, vector<1x64xf32> -> vector<1x64xf32>
    %add3A_61 = arith.addf %add3A_48, %dot_general3A_60 : vector<1x64xf32>
    %slice3A_62 = vector.extract_strided_slice %convert_element_type3A_9 {offsets = [768, 0], sizes = [256, 64], strides = [1, 1]} : vector<2048x64xf32> to vector<256x64xf32>
    %convert_element_type3A_63 = arith.truncf %slice3A_62 : vector<256x64xf32> to vector<256x64xbf16>
    %dot_general3A_64 = arith.constant dense<0.000000e+00> : vector<256x64xf32>
    %dot_general3A_65 = tpu.matmul %convert_element_type3A_22, %convert_element_type3A_63, %dot_general3A_64 {dimension_numbers = #tpu.dot_dimension_numbers<[1], [0], [0], [1], [0, 0, 1, 1], [], []>, transpose_lhs_hint = false} : vector<256x256xbf16>, vector<256x64xbf16>, vector<256x64xf32> -> vector<256x64xf32>
    %add3A_66 = vector.broadcast %add3A_61 : vector<1x64xf32> to vector<256x64xf32>
    %add3A_67 = arith.addf %dot_general3A_65, %add3A_66 : vector<256x64xf32>
    %mul3A_68 = arith.mulf %slice3A_62, %add3A_67 : vector<256x64xf32>
    %reduce_sum3A_69 = arith.constant dense<0.000000e+00> : vector<256xf32>
    %reduce_sum3A_70 = vector.multi_reduction <add>, %mul3A_68, %reduce_sum3A_69 [1] : vector<256x64xf32> to vector<256xf32>
    %broadcast_in_dim3A_71 = vector.shape_cast %reduce_sum3A_70 : vector<256xf32> to vector<256x1xf32>
    %dot_general3A_72 = arith.constant dense<0.000000e+00> : vector<1x64xf32>
    %dot_general3A_73 = tpu.matmul %broadcast_in_dim3A_24, %slice3A_62, %dot_general3A_72 {dimension_numbers = #tpu.dot_dimension_numbers<[1], [0], [0], [1], [0, 0, 1, 1], [], []>, precision = #tpu.contract_precision<fp32>, transpose_lhs_hint = false} : vector<1x256xf32>, vector<256x64xf32>, vector<1x64xf32> -> vector<1x64xf32>
    %add3A_74 = arith.addf %add3A_61, %dot_general3A_73 : vector<1x64xf32>
    %slice3A_75 = vector.extract_strided_slice %convert_element_type3A_9 {offsets = [1024, 0], sizes = [256, 64], strides = [1, 1]} : vector<2048x64xf32> to vector<256x64xf32>
    %convert_element_type3A_76 = arith.truncf %slice3A_75 : vector<256x64xf32> to vector<256x64xbf16>
    %dot_general3A_77 = arith.constant dense<0.000000e+00> : vector<256x64xf32>
    %dot_general3A_78 = tpu.matmul %convert_element_type3A_22, %convert_element_type3A_76, %dot_general3A_77 {dimension_numbers = #tpu.dot_dimension_numbers<[1], [0], [0], [1], [0, 0, 1, 1], [], []>, transpose_lhs_hint = false} : vector<256x256xbf16>, vector<256x64xbf16>, vector<256x64xf32> -> vector<256x64xf32>
    %add3A_79 = vector.broadcast %add3A_74 : vector<1x64xf32> to vector<256x64xf32>
    %add3A_80 = arith.addf %dot_general3A_78, %add3A_79 : vector<256x64xf32>
    %mul3A_81 = arith.mulf %slice3A_75, %add3A_80 : vector<256x64xf32>
    %reduce_sum3A_82 = arith.constant dense<0.000000e+00> : vector<256xf32>
    %reduce_sum3A_83 = vector.multi_reduction <add>, %mul3A_81, %reduce_sum3A_82 [1] : vector<256x64xf32> to vector<256xf32>
    %broadcast_in_dim3A_84 = vector.shape_cast %reduce_sum3A_83 : vector<256xf32> to vector<256x1xf32>
    %dot_general3A_85 = arith.constant dense<0.000000e+00> : vector<1x64xf32>
    %dot_general3A_86 = tpu.matmul %broadcast_in_dim3A_24, %slice3A_75, %dot_general3A_85 {dimension_numbers = #tpu.dot_dimension_numbers<[1], [0], [0], [1], [0, 0, 1, 1], [], []>, precision = #tpu.contract_precision<fp32>, transpose_lhs_hint = false} : vector<1x256xf32>, vector<256x64xf32>, vector<1x64xf32> -> vector<1x64xf32>
    %add3A_87 = arith.addf %add3A_74, %dot_general3A_86 : vector<1x64xf32>
    %slice3A_88 = vector.extract_strided_slice %convert_element_type3A_9 {offsets = [1280, 0], sizes = [256, 64], strides = [1, 1]} : vector<2048x64xf32> to vector<256x64xf32>
    %convert_element_type3A_89 = arith.truncf %slice3A_88 : vector<256x64xf32> to vector<256x64xbf16>
    %dot_general3A_90 = arith.constant dense<0.000000e+00> : vector<256x64xf32>
    %dot_general3A_91 = tpu.matmul %convert_element_type3A_22, %convert_element_type3A_89, %dot_general3A_90 {dimension_numbers = #tpu.dot_dimension_numbers<[1], [0], [0], [1], [0, 0, 1, 1], [], []>, transpose_lhs_hint = false} : vector<256x256xbf16>, vector<256x64xbf16>, vector<256x64xf32> -> vector<256x64xf32>
    %add3A_92 = vector.broadcast %add3A_87 : vector<1x64xf32> to vector<256x64xf32>
    %add3A_93 = arith.addf %dot_general3A_91, %add3A_92 : vector<256x64xf32>
    %mul3A_94 = arith.mulf %slice3A_88, %add3A_93 : vector<256x64xf32>
    %reduce_sum3A_95 = arith.constant dense<0.000000e+00> : vector<256xf32>
    %reduce_sum3A_96 = vector.multi_reduction <add>, %mul3A_94, %reduce_sum3A_95 [1] : vector<256x64xf32> to vector<256xf32>
    %broadcast_in_dim3A_97 = vector.shape_cast %reduce_sum3A_96 : vector<256xf32> to vector<256x1xf32>
    %dot_general3A_98 = arith.constant dense<0.000000e+00> : vector<1x64xf32>
    %dot_general3A_99 = tpu.matmul %broadcast_in_dim3A_24, %slice3A_88, %dot_general3A_98 {dimension_numbers = #tpu.dot_dimension_numbers<[1], [0], [0], [1], [0, 0, 1, 1], [], []>, precision = #tpu.contract_precision<fp32>, transpose_lhs_hint = false} : vector<1x256xf32>, vector<256x64xf32>, vector<1x64xf32> -> vector<1x64xf32>
    %add3A_100 = arith.addf %add3A_87, %dot_general3A_99 : vector<1x64xf32>
    %slice3A_101 = vector.extract_strided_slice %convert_element_type3A_9 {offsets = [1536, 0], sizes = [256, 64], strides = [1, 1]} : vector<2048x64xf32> to vector<256x64xf32>
    %convert_element_type3A_102 = arith.truncf %slice3A_101 : vector<256x64xf32> to vector<256x64xbf16>
    %dot_general3A_103 = arith.constant dense<0.000000e+00> : vector<256x64xf32>
    %dot_general3A_104 = tpu.matmul %convert_element_type3A_22, %convert_element_type3A_102, %dot_general3A_103 {dimension_numbers = #tpu.dot_dimension_numbers<[1], [0], [0], [1], [0, 0, 1, 1], [], []>, transpose_lhs_hint = false} : vector<256x256xbf16>, vector<256x64xbf16>, vector<256x64xf32> -> vector<256x64xf32>
    %add3A_105 = vector.broadcast %add3A_100 : vector<1x64xf32> to vector<256x64xf32>
    %add3A_106 = arith.addf %dot_general3A_104, %add3A_105 : vector<256x64xf32>
    %mul3A_107 = arith.mulf %slice3A_101, %add3A_106 : vector<256x64xf32>
    %reduce_sum3A_108 = arith.constant dense<0.000000e+00> : vector<256xf32>
    %reduce_sum3A_109 = vector.multi_reduction <add>, %mul3A_107, %reduce_sum3A_108 [1] : vector<256x64xf32> to vector<256xf32>
    %broadcast_in_dim3A_110 = vector.shape_cast %reduce_sum3A_109 : vector<256xf32> to vector<256x1xf32>
    %dot_general3A_111 = arith.constant dense<0.000000e+00> : vector<1x64xf32>
    %dot_general3A_112 = tpu.matmul %broadcast_in_dim3A_24, %slice3A_101, %dot_general3A_111 {dimension_numbers = #tpu.dot_dimension_numbers<[1], [0], [0], [1], [0, 0, 1, 1], [], []>, precision = #tpu.contract_precision<fp32>, transpose_lhs_hint = false} : vector<1x256xf32>, vector<256x64xf32>, vector<1x64xf32> -> vector<1x64xf32>
    %add3A_113 = arith.addf %add3A_100, %dot_general3A_112 : vector<1x64xf32>
    %slice3A_114 = vector.extract_strided_slice %convert_element_type3A_9 {offsets = [1792, 0], sizes = [256, 64], strides = [1, 1]} : vector<2048x64xf32> to vector<256x64xf32>
    %convert_element_type3A_115 = arith.truncf %slice3A_114 : vector<256x64xf32> to vector<256x64xbf16>
    %dot_general3A_116 = arith.constant dense<0.000000e+00> : vector<256x64xf32>
    %dot_general3A_117 = tpu.matmul %convert_element_type3A_22, %convert_element_type3A_115, %dot_general3A_116 {dimension_numbers = #tpu.dot_dimension_numbers<[1], [0], [0], [1], [0, 0, 1, 1], [], []>, transpose_lhs_hint = false} : vector<256x256xbf16>, vector<256x64xbf16>, vector<256x64xf32> -> vector<256x64xf32>
    %add3A_118 = vector.broadcast %add3A_113 : vector<1x64xf32> to vector<256x64xf32>
    %add3A_119 = arith.addf %dot_general3A_117, %add3A_118 : vector<256x64xf32>
    %mul3A_120 = arith.mulf %slice3A_114, %add3A_119 : vector<256x64xf32>
    %reduce_sum3A_121 = arith.constant dense<0.000000e+00> : vector<256xf32>
    %reduce_sum3A_122 = vector.multi_reduction <add>, %mul3A_120, %reduce_sum3A_121 [1] : vector<256x64xf32> to vector<256xf32>
    %broadcast_in_dim3A_123 = vector.shape_cast %reduce_sum3A_122 : vector<256xf32> to vector<256x1xf32>
    %concatenate3A = tpu.concatenate %broadcast_in_dim3A_32, %broadcast_in_dim3A_45, %broadcast_in_dim3A_58, %broadcast_in_dim3A_71, %broadcast_in_dim3A_84, %broadcast_in_dim3A_97, %broadcast_in_dim3A_110, %broadcast_in_dim3A_123 in 0 : vector<256x1xf32>, vector<256x1xf32>, vector<256x1xf32>, vector<256x1xf32>, vector<256x1xf32>, vector<256x1xf32>, vector<256x1xf32>, vector<256x1xf32> -> vector<2048x1xf32>
    %iota3A_124 = tpu.iota {dimensions = array<i32: 0>} : vector<64x64xi32>
    %iota3A_125 = tpu.iota {dimensions = array<i32: 1>} : vector<64x64xi32>
    %lt3A = arith.cmpi slt, %iota3A_125, %iota3A_124 : vector<64x64xi32>
    %convert_element_type3A_126 = arith.extui %lt3A : vector<64x64xi1> to vector<64x64xi32>
    %convert_element_type3A_127 = arith.sitofp %convert_element_type3A_126 : vector<64x64xi32> to vector<64x64xf32>
    %dot_general3A_128 = arith.constant dense<0.000000e+00> : vector<64x1xf32>
    %dot_general3A_129 = tpu.matmul %convert_element_type3A_127, %dot_general3A_17, %dot_general3A_128 {dimension_numbers = #tpu.dot_dimension_numbers<[1], [0], [0], [1], [0, 0, 1, 1], [], []>, precision = #tpu.contract_precision<fp32>, transpose_lhs_hint = false} : vector<64x64xf32>, vector<64x1xf32>, vector<64x1xf32> -> vector<64x1xf32>
    %add3A_130 = arith.addf %dot_general3A_129, %dot_general3A_17 : vector<64x1xf32>
    %dot_general3A_131 = arith.constant dense<0.000000e+00> : vector<2048x1xf32>
    %dot_general3A_132 = tpu.matmul %convert_element_type3A_9, %dot_general3A_129, %dot_general3A_131 {dimension_numbers = #tpu.dot_dimension_numbers<[1], [0], [0], [1], [0, 0, 1, 1], [], []>, precision = #tpu.contract_precision<fp32>, transpose_lhs_hint = false} : vector<2048x64xf32>, vector<64x1xf32>, vector<2048x1xf32> -> vector<2048x1xf32>
    %add3A_133 = arith.addf %dot_general3A_132, %concatenate3A : vector<2048x1xf32>
    %convert_element_type3A_134 = arith.fptosi %add3A_133 : vector<2048x1xf32> to vector<2048x1xi32>
    %swap3A = arith.constant 0 : index
    %swap3A_135 = arith.constant 0 : index
    %swap3A_136 = vector.load %arg3[%swap3A, %swap3A_135] : memref<2048x1xi32, #tpu.memory_space<vmem>>, vector<2048x1xi32>
    tpu.vector_store %arg3[%swap3A, %swap3A_135], %convert_element_type3A_134 {strides = array<i32>} : memref<2048x1xi32, #tpu.memory_space<vmem>>, vector<2048x1xi32>,
    %mul3A_137 = arith.mulf %convert_element_type3A_9, %get3A_7 : vector<2048x64xf32>
    %reduce_sum3A_138 = arith.constant dense<0.000000e+00> : vector<2048xf32>
    %reduce_sum3A_139 = vector.multi_reduction <add>, %mul3A_137, %reduce_sum3A_138 [1] : vector<2048x64xf32> to vector<2048xf32>
    %broadcast_in_dim3A_140 = vector.shape_cast %reduce_sum3A_139 : vector<2048xf32> to vector<2048x1xf32>
    %broadcast_in_dim3A_141 = vector.shape_cast %broadcast_in_dim3A_140 : vector<2048x1xf32> to vector<2048x1xf32>
    %broadcast_in_dim3A_142 = vector.broadcast %broadcast_in_dim3A_141 : vector<2048x1xf32> to vector<2048x128xf32>
    %swap3A_143 = arith.constant 0 : index
    %swap3A_144 = arith.constant 0 : index
    %swap3A_145 = vector.load %arg4[%swap3A_143, %swap3A_144] : memref<2048x128xf32, #tpu.memory_space<vmem>>, vector<2048x128xf32>
    tpu.vector_store %arg4[%swap3A_143, %swap3A_144], %broadcast_in_dim3A_142 {strides = array<i32>} : memref<2048x128xf32, #tpu.memory_space<vmem>>, vector<2048x128xf32>,
    %convert_element_type3A_146 = arith.fptosi %dot_general3A_17 : vector<64x1xf32> to vector<64x1xi32>
    %convert_element_type3A_147 = arith.fptosi %dot_general3A_129 : vector<64x1xf32> to vector<64x1xi32>
    %convert_element_type3A_148 = arith.fptosi %add3A_130 : vector<64x1xf32> to vector<64x1xi32>
    %jit3A = arith.constant 256 : i32
    %div3A = vector.broadcast %jit3A : i32 to vector<64x1xi32>
    %div3A_149 = arith.divsi %convert_element_type3A_147, %div3A : vector<64x1xi32>
    %sign3A = arith.constant 0 : i32
    %sign3A_150 = vector.broadcast %sign3A : i32 to vector<64x1xi32>
    %sign3A_151 = arith.cmpi sgt, %convert_element_type3A_147, %sign3A_150 : vector<64x1xi32>
    %sign3A_152 = arith.extui %sign3A_151 : vector<64x1xi1> to vector<64x1xi32>
    %sign3A_153 = arith.constant 0 : i32
    %sign3A_154 = vector.broadcast %sign3A_153 : i32 to vector<64x1xi32>
    %sign3A_155 = arith.cmpi slt, %convert_element_type3A_147, %sign3A_154 : vector<64x1xi32>
    %sign3A_156 = arith.extui %sign3A_155 : vector<64x1xi1> to vector<64x1xi32>
    %sign3A_157 = arith.subi %sign3A_152, %sign3A_156 : vector<64x1xi32>
    %sign3A_158 = arith.constant 0 : i32
    %sign3A_159 = arith.cmpi sgt, %jit3A, %sign3A_158 : i32
    %sign3A_160 = arith.extui %sign3A_159 : i1 to i32
    %sign3A_161 = arith.constant 0 : i32
    %sign3A_162 = arith.cmpi slt, %jit3A, %sign3A_161 : i32
    %sign3A_163 = arith.extui %sign3A_162 : i1 to i32
    %sign3A_164 = arith.subi %sign3A_160, %sign3A_163 : i32
    %ne3A = vector.broadcast %sign3A_164 : i32 to vector<64x1xi32>
    %ne3A_165 = arith.cmpi ne, %sign3A_157, %ne3A : vector<64x1xi32>
    %rem3A = vector.broadcast %jit3A : i32 to vector<64x1xi32>
    %rem3A_166 = arith.remsi %convert_element_type3A_147, %rem3A : vector<64x1xi32>
    %ne3A_167 = arith.constant 0 : i32
    %ne3A_168 = vector.broadcast %ne3A_167 : i32 to vector<64x1xi32>
    %ne3A_169 = arith.cmpi ne, %rem3A_166, %ne3A_168 : vector<64x1xi32>
    %and3A = arith.andi %ne3A_165, %ne3A_169 : vector<64x1xi1>
    %sub3A = arith.constant 1 : i32
    %sub3A_170 = vector.broadcast %sub3A : i32 to vector<64x1xi32>
    %sub3A_171 = arith.subi %div3A_149, %sub3A_170 : vector<64x1xi32>
    %select_n3A = arith.select %and3A, %sub3A_171, %div3A_149 : vector<64x1xi1>, vector<64x1xi32>
    %add3A_172 = arith.constant 256 : i32
    %add3A_173 = vector.broadcast %add3A_172 : i32 to vector<64x1xi32>
    %add3A_174 = arith.addi %convert_element_type3A_148, %add3A_173 : vector<64x1xi32>
    %sub3A_175 = arith.constant 1 : i32
    %sub3A_176 = vector.broadcast %sub3A_175 : i32 to vector<64x1xi32>
    %sub3A_177 = arith.subi %add3A_174, %sub3A_176 : vector<64x1xi32>
    %jit3A_178 = arith.constant 256 : i32
    %div3A_179 = vector.broadcast %jit3A_178 : i32 to vector<64x1xi32>
    %div3A_180 = arith.divsi %sub3A_177, %div3A_179 : vector<64x1xi32>
    %sign3A_181 = arith.constant 0 : i32
    %sign3A_182 = vector.broadcast %sign3A_181 : i32 to vector<64x1xi32>
    %sign3A_183 = arith.cmpi sgt, %sub3A_177, %sign3A_182 : vector<64x1xi32>
    %sign3A_184 = arith.extui %sign3A_183 : vector<64x1xi1> to vector<64x1xi32>
    %sign3A_185 = arith.constant 0 : i32
    %sign3A_186 = vector.broadcast %sign3A_185 : i32 to vector<64x1xi32>
    %sign3A_187 = arith.cmpi slt, %sub3A_177, %sign3A_186 : vector<64x1xi32>
    %sign3A_188 = arith.extui %sign3A_187 : vector<64x1xi1> to vector<64x1xi32>
    %sign3A_189 = arith.subi %sign3A_184, %sign3A_188 : vector<64x1xi32>
    %sign3A_190 = arith.constant 0 : i32
    %sign3A_191 = arith.cmpi sgt, %jit3A_178, %sign3A_190 : i32
    %sign3A_192 = arith.extui %sign3A_191 : i1 to i32
    %sign3A_193 = arith.constant 0 : i32
    %sign3A_194 = arith.cmpi slt, %jit3A_178, %sign3A_193 : i32
    %sign3A_195 = arith.extui %sign3A_194 : i1 to i32
    %sign3A_196 = arith.subi %sign3A_192, %sign3A_195 : i32
    %ne3A_197 = vector.broadcast %sign3A_196 : i32 to vector<64x1xi32>
    %ne3A_198 = arith.cmpi ne, %sign3A_189, %ne3A_197 : vector<64x1xi32>
    %rem3A_199 = vector.broadcast %jit3A_178 : i32 to vector<64x1xi32>
    %rem3A_200 = arith.remsi %sub3A_177, %rem3A_199 : vector<64x1xi32>
    %ne3A_201 = arith.constant 0 : i32
    %ne3A_202 = vector.broadcast %ne3A_201 : i32 to vector<64x1xi32>
    %ne3A_203 = arith.cmpi ne, %rem3A_200, %ne3A_202 : vector<64x1xi32>
    %and3A_204 = arith.andi %ne3A_198, %ne3A_203 : vector<64x1xi1>
    %sub3A_205 = arith.constant 1 : i32
    %sub3A_206 = vector.broadcast %sub3A_205 : i32 to vector<64x1xi32>
    %sub3A_207 = arith.subi %div3A_180, %sub3A_206 : vector<64x1xi32>
    %select_n3A_208 = arith.select %and3A_204, %sub3A_207, %div3A_180 : vector<64x1xi1>, vector<64x1xi32>
    %gt3A_209 = arith.constant 0 : i32
    %gt3A_210 = vector.broadcast %gt3A_209 : i32 to vector<64x1xi32>
    %gt3A_211 = arith.cmpi sgt, %convert_element_type3A_146, %gt3A_210 : vector<64x1xi32>
    %sub3A_212 = arith.subi %select_n3A_208, %select_n3A : vector<64x1xi32>
    %jit3A_213 = arith.constant 0 : i32
    %broadcast_in_dim3A_214 = vector.broadcast %jit3A_213 : i32 to vector<64x1xi32>
    %select_n3A_215 = arith.select %gt3A_211, %sub3A_212, %broadcast_in_dim3A_214 : vector<64x1xi1>, vector<64x1xi32>
    %convert_element_type3A_216 = arith.sitofp %select_n3A_215 : vector<64x1xi32> to vector<64x1xf32>
    %dot_general3A_217 = arith.constant dense<0.000000e+00> : vector<64x1xf32>
    %dot_general3A_218 = tpu.matmul %convert_element_type3A_127, %convert_element_type3A_216, %dot_general3A_217 {dimension_numbers = #tpu.dot_dimension_numbers<[1], [0], [0], [1], [0, 0, 1, 1], [], []>, precision = #tpu.contract_precision<fp32>, transpose_lhs_hint = false} : vector<64x64xf32>, vector<64x1xf32>, vector<64x1xf32> -> vector<64x1xf32>
    %convert_element_type3A_219 = arith.fptosi %dot_general3A_218 : vector<64x1xf32> to vector<64x1xi32>
    %reduce_sum3A_220 = vector.shape_cast %select_n3A_215 : vector<64x1xi32> to vector<1x64x1xi32>
    %reduce_sum3A_221 = arith.constant dense<0> : vector<1xi32>
    %reduce_sum3A_222 = vector.multi_reduction <add>, %reduce_sum3A_220, %reduce_sum3A_221 [1, 2] : vector<1x64x1xi32> to vector<1xi32>
    %reduce_sum3A_223 = vector.shape_cast %reduce_sum3A_222 : vector<1xi32> to vector<1x1x1xi32>
    %reduce_sum3A_224 = vector.extract %reduce_sum3A_223[0, 0, 0] : i32 from vector<1x1x1xi32>
    %iota3A_225 = tpu.iota {dimensions = array<i32: 1>} : vector<1x71xi32>
    %le3A = vector.broadcast %convert_element_type3A_219 : vector<64x1xi32> to vector<64x71xi32>
    %le3A_226 = vector.broadcast %iota3A_225 : vector<1x71xi32> to vector<64x71xi32>
    %le3A_227 = arith.cmpi sle, %le3A, %le3A_226 : vector<64x71xi32>
    %convert_element_type3A_228 = arith.extui %le3A_227 : vector<64x71xi1> to vector<64x71xi32>
    %convert_element_type3A_229 = arith.sitofp %convert_element_type3A_228 : vector<64x71xi32> to vector<64x71xf32>
    %reduce_sum3A_230 = arith.constant dense<0.000000e+00> : vector<71xf32>
    %reduce_sum3A_231 = vector.multi_reduction <add>, %convert_element_type3A_229, %reduce_sum3A_230 [0] : vector<64x71xf32> to vector<71xf32>
    %broadcast_in_dim3A_232 = vector.shape_cast %reduce_sum3A_231 : vector<71xf32> to vector<1x71xf32>
    %convert_element_type3A_233 = arith.fptosi %broadcast_in_dim3A_232 : vector<1x71xf32> to vector<1x71xi32>
    %sub3A_234 = arith.constant 1 : i32
    %sub3A_235 = vector.broadcast %sub3A_234 : i32 to vector<1x71xi32>
    %sub3A_236 = arith.subi %convert_element_type3A_233, %sub3A_235 : vector<1x71xi32>
    %jit3A_237 = arith.constant 0 : i32
    %jit3A_238 = arith.constant 63 : i32
    %max3A = vector.broadcast %jit3A_237 : i32 to vector<1x71xi32>
    %max3A_239 = arith.maxsi %max3A, %sub3A_236 : vector<1x71xi32>
    %min3A = vector.broadcast %jit3A_238 : i32 to vector<1x71xi32>
    %min3A_240 = arith.minsi %min3A, %max3A_239 : vector<1x71xi32>
    %eq3A_241 = vector.broadcast %iota3A_10 : vector<64x1xi32> to vector<64x71xi32>
    %eq3A_242 = vector.broadcast %min3A_240 : vector<1x71xi32> to vector<64x71xi32>
    %eq3A_243 = arith.cmpi eq, %eq3A_241, %eq3A_242 : vector<64x71xi32>
    %convert_element_type3A_244 = arith.extui %eq3A_243 : vector<64x71xi1> to vector<64x71xi32>
    %convert_element_type3A_245 = arith.sitofp %convert_element_type3A_244 : vector<64x71xi32> to vector<64x71xf32>
    %convert_element_type3A_246 = arith.sitofp %select_n3A : vector<64x1xi32> to vector<64x1xf32>
    %mul3A_247 = vector.broadcast %convert_element_type3A_246 : vector<64x1xf32> to vector<64x71xf32>
    %mul3A_248 = arith.mulf %convert_element_type3A_245, %mul3A_247 : vector<64x71xf32>
    %reduce_sum3A_249 = arith.constant dense<0.000000e+00> : vector<71xf32>
    %reduce_sum3A_250 = vector.multi_reduction <add>, %mul3A_248, %reduce_sum3A_249 [0] : vector<64x71xf32> to vector<71xf32>
    %broadcast_in_dim3A_251 = vector.shape_cast %reduce_sum3A_250 : vector<71xf32> to vector<1x71xf32>
    %convert_element_type3A_252 = arith.fptosi %broadcast_in_dim3A_251 : vector<1x71xf32> to vector<1x71xi32>
    %convert_element_type3A_253 = arith.sitofp %convert_element_type3A_219 : vector<64x1xi32> to vector<64x1xf32>
    %mul3A_254 = vector.broadcast %convert_element_type3A_253 : vector<64x1xf32> to vector<64x71xf32>
    %mul3A_255 = arith.mulf %convert_element_type3A_245, %mul3A_254 : vector<64x71xf32>
    %reduce_sum3A_256 = arith.constant dense<0.000000e+00> : vector<71xf32>
    %reduce_sum3A_257 = vector.multi_reduction <add>, %mul3A_255, %reduce_sum3A_256 [0] : vector<64x71xf32> to vector<71xf32>
    %broadcast_in_dim3A_258 = vector.shape_cast %reduce_sum3A_257 : vector<71xf32> to vector<1x71xf32>
    %convert_element_type3A_259 = arith.fptosi %broadcast_in_dim3A_258 : vector<1x71xf32> to vector<1x71xi32>
    %mul3A_260 = vector.broadcast %dot_general3A_129 : vector<64x1xf32> to vector<64x71xf32>
    %mul3A_261 = arith.mulf %convert_element_type3A_245, %mul3A_260 : vector<64x71xf32>
    %reduce_sum3A_262 = arith.constant dense<0.000000e+00> : vector<71xf32>
    %reduce_sum3A_263 = vector.multi_reduction <add>, %mul3A_261, %reduce_sum3A_262 [0] : vector<64x71xf32> to vector<71xf32>
    %broadcast_in_dim3A_264 = vector.shape_cast %reduce_sum3A_263 : vector<71xf32> to vector<1x71xf32>
    %convert_element_type3A_265 = arith.fptosi %broadcast_in_dim3A_264 : vector<1x71xf32> to vector<1x71xi32>
    %mul3A_266 = vector.broadcast %add3A_130 : vector<64x1xf32> to vector<64x71xf32>
    %mul3A_267 = arith.mulf %convert_element_type3A_245, %mul3A_266 : vector<64x71xf32>
    %reduce_sum3A_268 = arith.constant dense<0.000000e+00> : vector<71xf32>
    %reduce_sum3A_269 = vector.multi_reduction <add>, %mul3A_267, %reduce_sum3A_268 [0] : vector<64x71xf32> to vector<71xf32>
    %broadcast_in_dim3A_270 = vector.shape_cast %reduce_sum3A_269 : vector<71xf32> to vector<1x71xf32>
    %convert_element_type3A_271 = arith.fptosi %broadcast_in_dim3A_270 : vector<1x71xf32> to vector<1x71xi32>
    %sub3A_272 = arith.subi %iota3A_225, %convert_element_type3A_259 : vector<1x71xi32>
    %add3A_273 = arith.addi %convert_element_type3A_252, %sub3A_272 : vector<1x71xi32>
    %jit3A_274 = arith.constant 0 : i32
    %jit3A_275 = arith.constant 7 : i32
    %max3A_276 = vector.broadcast %jit3A_274 : i32 to vector<1x71xi32>
    %max3A_277 = arith.maxsi %max3A_276, %add3A_273 : vector<1x71xi32>
    %min3A_278 = vector.broadcast %jit3A_275 : i32 to vector<1x71xi32>
    %min3A_279 = arith.minsi %min3A_278, %max3A_277 : vector<1x71xi32>
    %mul3A_280 = arith.constant 256 : i32
    %mul3A_281 = vector.broadcast %mul3A_280 : i32 to vector<1x71xi32>
    %mul3A_282 = arith.muli %min3A_279, %mul3A_281 : vector<1x71xi32>
    %max3A_283 = arith.maxsi %convert_element_type3A_265, %mul3A_282 : vector<1x71xi32>
    %mul3A_284 = arith.constant 256 : i32
    %mul3A_285 = vector.broadcast %mul3A_284 : i32 to vector<1x71xi32>
    %mul3A_286 = arith.muli %min3A_279, %mul3A_285 : vector<1x71xi32>
    %add3A_287 = arith.constant 256 : i32
    %add3A_288 = vector.broadcast %add3A_287 : i32 to vector<1x71xi32>
    %add3A_289 = arith.addi %mul3A_286, %add3A_288 : vector<1x71xi32>
    %min3A_290 = arith.minsi %convert_element_type3A_271, %add3A_289 : vector<1x71xi32>
    %max3A_291 = arith.maxsi %min3A_290, %max3A_283 : vector<1x71xi32>
    %lt3A_292 = vector.broadcast %reduce_sum3A_224 : i32 to vector<1x71xi32>
    %lt3A_293 = arith.cmpi slt, %iota3A_225, %lt3A_292 : vector<1x71xi32>
    %select_n3A_294 = arith.select %lt3A_293, %max3A_291, %max3A_283 : vector<1x71xi1>, vector<1x71xi32>
    %swap3A_295 = arith.constant 0 : index
    %swap3A_296 = arith.constant 0 : index
    %swap3A_297 = vector.load %arg5[%swap3A_295, %swap3A_296] : memref<1x71xi32, #tpu.memory_space<vmem>>, vector<1x71xi32>
    tpu.vector_store %arg5[%swap3A_295, %swap3A_296], %min3A_240 {strides = array<i32>} : memref<1x71xi32, #tpu.memory_space<vmem>>, vector<1x71xi32>,
    %swap3A_298 = arith.constant 0 : index
    %swap3A_299 = arith.constant 0 : index
    %swap3A_300 = vector.load %arg6[%swap3A_298, %swap3A_299] : memref<1x71xi32, #tpu.memory_space<vmem>>, vector<1x71xi32>
    tpu.vector_store %arg6[%swap3A_298, %swap3A_299], %min3A_279 {strides = array<i32>} : memref<1x71xi32, #tpu.memory_space<vmem>>, vector<1x71xi32>,
    %swap3A_301 = arith.constant 0 : index
    %swap3A_302 = arith.constant 0 : index
    %swap3A_303 = vector.load %arg7[%swap3A_301, %swap3A_302] : memref<1x71xi32, #tpu.memory_space<vmem>>, vector<1x71xi32>
    tpu.vector_store %arg7[%swap3A_301, %swap3A_302], %max3A_283 {strides = array<i32>} : memref<1x71xi32, #tpu.memory_space<vmem>>, vector<1x71xi32>,
    %swap3A_304 = arith.constant 0 : index
    %swap3A_305 = arith.constant 0 : index
    %swap3A_306 = vector.load %arg8[%swap3A_304, %swap3A_305] : memref<1x71xi32, #tpu.memory_space<vmem>>, vector<1x71xi32>
    tpu.vector_store %arg8[%swap3A_304, %swap3A_305], %select_n3A_294 {strides = array<i32>} : memref<1x71xi32, #tpu.memory_space<vmem>>, vector<1x71xi32>,
    return
  }
}

module attributes {stable_mosaic.version = 14 : i64} {
  func.func @_gmm_body(%arg0: i32, %arg1: memref<71xi32, #tpu.memory_space<smem>>, %arg2: memref<71xi32, #tpu.memory_space<smem>>, %arg3: memref<71xi32, #tpu.memory_space<smem>>, %arg4: memref<71xi32, #tpu.memory_space<smem>>, %arg5: memref<256x768xf32, #tpu.memory_space<vmem>>, %arg6: memref<256x128xf32, #tpu.memory_space<vmem>>, %arg7: memref<1x768x1024xf32, #tpu.memory_space<vmem>>, %arg8: memref<1x768x1024xf32, #tpu.memory_space<vmem>>, %arg9: memref<1x1024x768xf32, #tpu.memory_space<vmem>>, %arg10: memref<256x768xf32, #tpu.memory_space<vmem>>) attributes {dimension_semantics = [#tpu.dimension_semantics<arbitrary>], iteration_bounds = array<i64: 71>, scalar_prefetch = 4 : i64, scratch_operands = 0 : i64, tpu.core_type = #tpu.core_type<tc>, window_params = [{transform_indices = @transform_0, window_bounds = array<i64: 256, 768>}, {transform_indices = @transform_1, window_bounds = array<i64: 256, 128>}, {transform_indices = @transform_2, window_bounds = array<i64: 1, 768, 1024>}, {transform_indices = @transform_3, window_bounds = array<i64: 1, 768, 1024>}, {transform_indices = @transform_4, window_bounds = array<i64: 1, 1024, 768>}, {transform_indices = @transform_5, window_bounds = array<i64: 256, 768>}]} {
    %get3A = arith.index_cast %arg0 : i32 to index
    %get3A_0 = memref.load %arg2[%get3A] : memref<71xi32, #tpu.memory_space<smem>>
    %get3A_1 = arith.index_cast %arg0 : i32 to index
    %get3A_2 = memref.load %arg3[%get3A_1] : memref<71xi32, #tpu.memory_space<smem>>
    %get3A_3 = arith.index_cast %arg0 : i32 to index
    %get3A_4 = memref.load %arg4[%get3A_3] : memref<71xi32, #tpu.memory_space<smem>>
    %mul3A = arith.constant 256 : i32
    %mul3A_5 = arith.muli %get3A_0, %mul3A : i32
    %iota3A = tpu.iota {dimensions = array<i32: 0>} : vector<256x1xi32>
    %add3A = vector.broadcast %mul3A_5 : i32 to vector<256x1xi32>
    %add3A_6 = arith.addi %add3A, %iota3A : vector<256x1xi32>
    %ge3A = vector.broadcast %get3A_2 : i32 to vector<256x1xi32>
    %ge3A_7 = arith.cmpi sge, %add3A_6, %ge3A : vector<256x1xi32>
    %lt3A = vector.broadcast %get3A_4 : i32 to vector<256x1xi32>
    %lt3A_8 = arith.cmpi slt, %add3A_6, %lt3A : vector<256x1xi32>
    %and3A = arith.andi %ge3A_7, %lt3A_8 : vector<256x1xi1>
    %get3A_9 = arith.constant 0 : index
    %get3A_10 = arith.constant 0 : index
    %get3A_11 = vector.load %arg5[%get3A_9, %get3A_10] : memref<256x768xf32, #tpu.memory_space<vmem>>, vector<256x768xf32>
    %convert_element_type3A = arith.truncf %get3A_11 : vector<256x768xf32> to vector<256x768xbf16>
    %get3A_12 = arith.constant 0 : index
    %get3A_13 = arith.constant 0 : index
    %get3A_14 = vector.load %arg6[%get3A_12, %get3A_13] : memref<256x128xf32, #tpu.memory_space<vmem>>, vector<256x1xf32>
    %get3A_15 = arith.constant 0 : index
    %get3A_16 = arith.constant 0 : index
    %get3A_17 = arith.constant 0 : index
    %get3A_18 = vector.load %arg7[%get3A_15, %get3A_16, %get3A_17] : memref<1x768x1024xf32, #tpu.memory_space<vmem>>, vector<1x768x1024xf32>
    %get3A_19 = vector.shape_cast %get3A_18 : vector<1x768x1024xf32> to vector<768x1024xf32>
    %convert_element_type3A_20 = arith.truncf %get3A_19 : vector<768x1024xf32> to vector<768x1024xbf16>
    %dot_general3A = arith.constant dense<0.000000e+00> : vector<256x1024xf32>
    %dot_general3A_21 = tpu.matmul %convert_element_type3A, %convert_element_type3A_20, %dot_general3A {dimension_numbers = #tpu.dot_dimension_numbers<[1], [0], [0], [1], [0, 0, 1, 1], [], []>, transpose_lhs_hint = false} : vector<256x768xbf16>, vector<768x1024xbf16>, vector<256x1024xf32> -> vector<256x1024xf32>
    %get3A_22 = arith.constant 0 : index
    %get3A_23 = arith.constant 0 : index
    %get3A_24 = arith.constant 0 : index
    %get3A_25 = vector.load %arg8[%get3A_22, %get3A_23, %get3A_24] : memref<1x768x1024xf32, #tpu.memory_space<vmem>>, vector<1x768x1024xf32>
    %get3A_26 = vector.shape_cast %get3A_25 : vector<1x768x1024xf32> to vector<768x1024xf32>
    %convert_element_type3A_27 = arith.truncf %get3A_26 : vector<768x1024xf32> to vector<768x1024xbf16>
    %dot_general3A_28 = arith.constant dense<0.000000e+00> : vector<256x1024xf32>
    %dot_general3A_29 = tpu.matmul %convert_element_type3A, %convert_element_type3A_27, %dot_general3A_28 {dimension_numbers = #tpu.dot_dimension_numbers<[1], [0], [0], [1], [0, 0, 1, 1], [], []>, transpose_lhs_hint = false} : vector<256x768xbf16>, vector<768x1024xbf16>, vector<256x1024xf32> -> vector<256x1024xf32>
    %logistic3A = arith.negf %dot_general3A_21 : vector<256x1024xf32>
    %logistic3A_30 = math.exp %logistic3A : vector<256x1024xf32>
    %logistic3A_31 = arith.constant 1.000000e+00 : f32
    %logistic3A_32 = vector.broadcast %logistic3A_31 : f32 to vector<256x1024xf32>
    %logistic3A_33 = arith.addf %logistic3A_32, %logistic3A_30 : vector<256x1024xf32>
    %logistic3A_34 = arith.divf %logistic3A_32, %logistic3A_33 : vector<256x1024xf32>
    %mul3A_35 = arith.mulf %dot_general3A_21, %logistic3A_34 : vector<256x1024xf32>
    %mul3A_36 = arith.mulf %mul3A_35, %dot_general3A_29 : vector<256x1024xf32>
    %convert_element_type3A_37 = arith.truncf %mul3A_36 : vector<256x1024xf32> to vector<256x1024xbf16>
    %get3A_38 = arith.constant 0 : index
    %get3A_39 = arith.constant 0 : index
    %get3A_40 = arith.constant 0 : index
    %get3A_41 = vector.load %arg9[%get3A_38, %get3A_39, %get3A_40] : memref<1x1024x768xf32, #tpu.memory_space<vmem>>, vector<1x1024x768xf32>
    %get3A_42 = vector.shape_cast %get3A_41 : vector<1x1024x768xf32> to vector<1024x768xf32>
    %convert_element_type3A_43 = arith.truncf %get3A_42 : vector<1024x768xf32> to vector<1024x768xbf16>
    %dot_general3A_44 = arith.constant dense<0.000000e+00> : vector<256x768xf32>
    %dot_general3A_45 = tpu.matmul %convert_element_type3A_37, %convert_element_type3A_43, %dot_general3A_44 {dimension_numbers = #tpu.dot_dimension_numbers<[1], [0], [0], [1], [0, 0, 1, 1], [], []>, transpose_lhs_hint = false} : vector<256x1024xbf16>, vector<1024x768xbf16>, vector<256x768xf32> -> vector<256x768xf32>
    %mul3A_46 = vector.broadcast %get3A_14 : vector<256x1xf32> to vector<256x768xf32>
    %mul3A_47 = arith.mulf %dot_general3A_45, %mul3A_46 : vector<256x768xf32>
    %get3A_48 = arith.constant 0 : index
    %get3A_49 = arith.constant 0 : index
    %get3A_50 = vector.load %arg10[%get3A_48, %get3A_49] : memref<256x768xf32, #tpu.memory_space<vmem>>, vector<256x768xf32>
    %broadcast_in_dim3A = vector.shape_cast %and3A : vector<256x1xi1> to vector<256x1xi1>
    %broadcast_in_dim3A_51 = vector.broadcast %broadcast_in_dim3A : vector<256x1xi1> to vector<256x768xi1>
    %select_n3A = arith.select %broadcast_in_dim3A_51, %mul3A_47, %get3A_50 : vector<256x768xi1>, vector<256x768xf32>
    %swap3A = arith.constant 0 : index
    %swap3A_52 = arith.constant 0 : index
    %swap3A_53 = vector.load %arg10[%swap3A, %swap3A_52] : memref<256x768xf32, #tpu.memory_space<vmem>>, vector<256x768xf32>
    tpu.vector_store %arg10[%swap3A, %swap3A_52], %select_n3A {strides = array<i32>} : memref<256x768xf32, #tpu.memory_space<vmem>>, vector<256x768xf32>,
    return
  }
  func.func @transform_0(%arg0: i32, %arg1: memref<71xi32, #tpu.memory_space<smem>>, %arg2: memref<71xi32, #tpu.memory_space<smem>>, %arg3: memref<71xi32, #tpu.memory_space<smem>>, %arg4: memref<71xi32, #tpu.memory_space<smem>>) -> (i32, i32) {
    %get3A = arith.index_cast %arg0 : i32 to index
    %get3A_0 = memref.load %arg2[%get3A] : memref<71xi32, #tpu.memory_space<smem>>
    %c0_i32 = arith.constant 0 : i32
    %c0_i32_1 = arith.constant 0 : i32
    return %get3A_0, %c0_i32 : i32, i32
  }
  func.func @transform_1(%arg0: i32, %arg1: memref<71xi32, #tpu.memory_space<smem>>, %arg2: memref<71xi32, #tpu.memory_space<smem>>, %arg3: memref<71xi32, #tpu.memory_space<smem>>, %arg4: memref<71xi32, #tpu.memory_space<smem>>) -> (i32, i32) {
    %get3A = arith.index_cast %arg0 : i32 to index
    %get3A_0 = memref.load %arg2[%get3A] : memref<71xi32, #tpu.memory_space<smem>>
    %c0_i32 = arith.constant 0 : i32
    %c0_i32_1 = arith.constant 0 : i32
    return %get3A_0, %c0_i32 : i32, i32
  }
  func.func @transform_2(%arg0: i32, %arg1: memref<71xi32, #tpu.memory_space<smem>>, %arg2: memref<71xi32, #tpu.memory_space<smem>>, %arg3: memref<71xi32, #tpu.memory_space<smem>>, %arg4: memref<71xi32, #tpu.memory_space<smem>>) -> (i32, i32, i32) {
    %get3A = arith.index_cast %arg0 : i32 to index
    %get3A_0 = memref.load %arg1[%get3A] : memref<71xi32, #tpu.memory_space<smem>>
    %c0_i32 = arith.constant 0 : i32
    %c0_i32_1 = arith.constant 0 : i32
    %c0_i32_2 = arith.constant 0 : i32
    return %get3A_0, %c0_i32, %c0_i32_1 : i32, i32, i32
  }
  func.func @transform_3(%arg0: i32, %arg1: memref<71xi32, #tpu.memory_space<smem>>, %arg2: memref<71xi32, #tpu.memory_space<smem>>, %arg3: memref<71xi32, #tpu.memory_space<smem>>, %arg4: memref<71xi32, #tpu.memory_space<smem>>) -> (i32, i32, i32) {
    %get3A = arith.index_cast %arg0 : i32 to index
    %get3A_0 = memref.load %arg1[%get3A] : memref<71xi32, #tpu.memory_space<smem>>
    %c0_i32 = arith.constant 0 : i32
    %c0_i32_1 = arith.constant 0 : i32
    %c0_i32_2 = arith.constant 0 : i32
    return %get3A_0, %c0_i32, %c0_i32_1 : i32, i32, i32
  }
  func.func @transform_4(%arg0: i32, %arg1: memref<71xi32, #tpu.memory_space<smem>>, %arg2: memref<71xi32, #tpu.memory_space<smem>>, %arg3: memref<71xi32, #tpu.memory_space<smem>>, %arg4: memref<71xi32, #tpu.memory_space<smem>>) -> (i32, i32, i32) {
    %get3A = arith.index_cast %arg0 : i32 to index
    %get3A_0 = memref.load %arg1[%get3A] : memref<71xi32, #tpu.memory_space<smem>>
    %c0_i32 = arith.constant 0 : i32
    %c0_i32_1 = arith.constant 0 : i32
    %c0_i32_2 = arith.constant 0 : i32
    return %get3A_0, %c0_i32, %c0_i32_1 : i32, i32, i32
  }
  func.func @transform_5(%arg0: i32, %arg1: memref<71xi32, #tpu.memory_space<smem>>, %arg2: memref<71xi32, #tpu.memory_space<smem>>, %arg3: memref<71xi32, #tpu.memory_space<smem>>, %arg4: memref<71xi32, #tpu.memory_space<smem>>) -> (i32, i32) {
    %get3A = arith.index_cast %arg0 : i32 to index
    %get3A_0 = memref.load %arg2[%get3A] : memref<71xi32, #tpu.memory_space<smem>>
    %c0_i32 = arith.constant 0 : i32
    %c0_i32_1 = arith.constant 0 : i32
    return %get3A_0, %c0_i32 : i32, i32
  }
}

</mosaic_0001>

<sc_bundles>
// kernel: kernel.6.cloned.1.call-start
scs
__scs_entry_jumppad:
0x0: {  	(pc) =	sbr.rel $0x88, $3  }
0x1: {  	(tag) =	ssettag $0x0;
	lr =	simm.s32 $0x1  }
0x2: {  	[smem:$0x3F9B] =	sst lr;
	_ =	strace $0xD0000000  }
0x3: {  	_ = 	snop  }
0x4: {  	_ = 	snop  }
0x5: {  	_ = 	snop  }
0x6: {  	_ = 	snop  }
0x7: {  	_ = 	snop  }
__scs_overlays_trampoline_lowered:
0x8: {  	[smem:$0x3FAA] =	sst s0  }
0x9: {  	[smem:$0x3FAB] =	sst s1  }
0xa: {  	[smem:$0x3FAC] =	sst s2  }
0xb: {  	[smem:$0x3FAD] =	sst s3  }
0xc: {  	[smem:$0x3FAE] =	sst s4  }
0xd: {  	[smem:$0x3FAF] =	sst s5  }
0xe: {  	[smem:$0x3FB0] =	sst s6  }
0xf: {  	[smem:$0x3FB1] =	sst s7  }
0x10: {  	[smem:$0x3FB2] =	sst s8  }
0x11: {  	[smem:$0x3FB3] =	sst s9;
	s0 =	simm.s32 @!p0 $0x0  }
0x12: {  	s1 =	sld [smem:$0x3F99];
	s0 =	simm.s32 @p0 $0x1  }
0x13: {  	[smem:$0x3FB4] =	sst s0;
	s0 =	simm.s32 @!p1 $0x0  }
0x14: {  	s2 =	sld [smem:$0x3F98];
	s0 =	simm.s32 @p1 $0x1  }
0x15: {  	[smem:$0x3FB5] =	sst s0;
	s0 =	simm.s32 @!p2 $0x0  }
0x16: {  	s3 =	sld [smem:$0x3FDB];
	s0 =	simm.s32 @p2 $0x1  }
0x17: {  	s4 =	simm.s32 $0x1BF5;
	[smem:$0x3FB7] =	sst s0  }
0x18: {  	s0 =	sld [smem:$0x3F9A];
	_ =	swait.ge [sflag:s4], $0x0  }
0x19: {  	s7 =	sld [smem:$0x3F9B]  }
0x1a: {  	s8 =	sadd.s32 $0xFFFFE003, lr  }
0x1b: {  	s9 =	sadd.s32 $0xFFFFFEF7, lr;
	s5 =	simm.s32 $0xFFFFFFFF;
	p2 =	slt.u32 s8, $0xFFFFF086  }
0x1c: {  	p1 =	slt.u32 s9, $0xF7A;
	s5 =	simm.s32 @!p2 $0x0  }
0x1d: {  	s5 =	simm.s32 @p1 $0x1;
	p0 =	seq.s32 s7, s2  }
0x1e: {  	s7 =	smul.u32 @!p0 $0xF7A, s2;
	p2 =	seq.s32 @!p0 s5, $0x0  }
0x1f: {  	s9 =	smul.u32 $0xF7A, s1;
	s8 =	simm.s32 @!p0 $0x1BF5;
	p2 =	por !p2, p0  }
0x20: {  	[sflag:s8] =	ssyncset.s32 @!p0 $0xFFFFF086;
	s6 =	sadd.s32 @!p0 s3, s7;
	s7 =	simm.s32 @!p0 $0x108  }
0x21: {  	s3 =	sadd.s32 s3, s9;
	s6 =	sadd.s32 @!p0 $0x88, s6;
	s7 =	simm.s32 @p2 $0x1082  }
0x22: {  	[simem:s7], [sflag:s8] =	dma.local @!p0 [hbm:s6], $0xF7A  }
0x23: {  	s9 =	sor.u32 $0xD0000000, s2;
	s6 =	simm.s32 $0x108;
	_ =	swait.ge @!p0 [sflag:s8], $0x0  }
0x24: {  	s3 =	sadd.s32 $0x88, s3;
	s6 =	simm.s32 @!p1 $0x1082;
	[sflag:s4] =	ssyncset.s32 $0xFFFFF086  }
0x25: {  	[simem:s6], [sflag:s4] =	dma.local [hbm:s3], $0xF7A  }
0x26: {  	[smem:$0x3F9B] =	sst s1;
	(tag) =	ssettag s2;
	_ =	strace s9  }
0x27: {  	s1 =	sld [smem:$0x3FAB]  }
0x28: {  	s2 =	sld [smem:$0x3FAC]  }
0x29: {  	s4 =	sld [smem:$0x3FAE]  }
0x2a: {  	p0 =	seq.s32 s5, $0x0;
	s5 =	sld [smem:$0x3FAF]  }
0x2b: {  	s6 =	sld [smem:$0x3FB0]  }
0x2c: {  	s7 =	sld [smem:$0x3FB1]  }
0x2d: {  	s3 =	simm.s32 $0x108;
	s8 =	sld [smem:$0x3FB2]  }
0x2e: {  	s3 =	simm.s32 @!p0 $0x1082;
	s9 =	sld [smem:$0x3FB3]  }
0x2f: {  	lr =	sadd.s32 s0, s3;
	s0 =	sld [smem:$0x3FAA]  }
0x30: {  	s3 =	sld [smem:$0x3FAD]  }
0x31: {  	[smem:$0x3FB6] =	sst s10  }
0x32: {  	s10 =	sld [smem:$0x3FB4];
	_ =	sdelay $0x3  }
0x33: {  	p0 =	seq.s32 s10, $0x1;
	s10 =	sld [smem:$0x3FB6];
	_ =	sdelay $0x3  }
0x34: {  	[smem:$0x3FB6] =	sst s10  }
0x35: {  	s10 =	sld [smem:$0x3FB5];
	_ =	sdelay $0x3  }
0x36: {  	p1 =	seq.s32 s10, $0x1;
	s10 =	sld [smem:$0x3FB6];
	_ =	sdelay $0x3  }
0x37: {  	[smem:$0x3FB6] =	sst s10  }
0x38: {  	s10 =	sld [smem:$0x3FB7]  }
0x39: {  	_ = 	snop;
	(pc) =	sbr.ind lr, $3  }
0x3a: {  	_ = 	snop  }
0x3b: {  	_ = 	snop  }
0x3c: {  	p2 =	seq.s32 s10, $0x1;
	s10 =	sld [smem:$0x3FB6]  }
0x3d: {  	_ =	shalt  }
0x3e: {  	_ =	shalt  }
0x3f: {  	_ =	shalt  }
0x40: {  	_ =	shalt  }
0x41: {  	_ =	shalt  }
0x42: {  	_ =	shalt  }
0x43: {  	_ =	shalt  }
0x44: {  	_ =	shalt  }
0x45: {  	_ =	shalt  }
0x46: {  	_ =	shalt  }
0x47: {  	_ =	shalt  }
0x48: {  	_ =	shalt  }
0x49: {  	_ =	shalt  }
0x4a: {  	_ =	shalt  }
0x4b: {  	_ =	shalt  }
0x4c: {  	_ =	shalt  }
0x4d: {  	_ =	shalt  }
0x4e: {  	_ =	shalt  }
0x4f: {  	_ =	shalt  }
0x50: {  	_ =	shalt  }
0x51: {  	_ =	shalt  }
0x52: {  	_ =	shalt  }
0x53: {  	_ =	shalt  }
0x54: {  	_ =	shalt  }
0x55: {  	_ =	shalt  }
0x56: {  	_ =	shalt  }
0x57: {  	_ =	shalt  }
0x58: {  	_ =	shalt  }
0x59: {  	_ =	shalt  }
0x5a: {  	_ =	shalt  }
0x5b: {  	_ =	shalt  }
0x5c: {  	_ =	shalt  }
0x5d: {  	_ =	shalt  }
0x5e: {  	_ =	shalt  }
0x5f: {  	_ =	shalt  }
0x60: {  	_ =	shalt  }
0x61: {  	_ =	shalt  }
0x62: {  	_ =	shalt  }
0x63: {  	_ =	shalt  }
0x64: {  	_ =	shalt  }
0x65: {  	_ =	shalt  }
0x66: {  	_ =	shalt  }
0x67: {  	_ =	shalt  }
0x68: {  	_ =	shalt  }
0x69: {  	_ =	shalt  }
0x6a: {  	_ =	shalt  }
0x6b: {  	_ =	shalt  }
0x6c: {  	_ =	shalt  }
0x6d: {  	_ =	shalt  }
0x6e: {  	_ =	shalt  }
0x6f: {  	_ =	shalt  }
0x70: {  	_ =	shalt  }
0x71: {  	_ =	shalt  }
0x72: {  	_ =	shalt  }
0x73: {  	_ =	shalt  }
0x74: {  	_ =	shalt  }
0x75: {  	_ =	shalt  }
0x76: {  	_ =	shalt  }
0x77: {  	_ =	shalt  }
0x78: {  	_ =	shalt  }
0x79: {  	_ =	shalt  }
0x7a: {  	_ =	shalt  }
0x7b: {  	_ =	shalt  }
0x7c: {  	_ =	shalt  }
0x7d: {  	_ =	shalt  }
0x7e: {  	_ =	shalt  }
0x7f: {  	_ =	shalt  }
0x80: {  	_ =	shalt  }
0x81: {  	_ =	shalt  }
0x82: {  	_ =	shalt  }
0x83: {  	_ =	shalt  }
0x84: {  	_ =	shalt  }
0x85: {  	_ =	shalt  }
0x86: {  	_ =	shalt  }
0x87: {  	_ =	shalt  }
.Lfunc_end0:
.L_simem_size_0:
called_computation_lowered:
.L_overlay_start_0:
0x88: {  	s2 =	sld [smem:$0x3FD9]  }
0x89: {  	s3 =	sld [smem:$0x3FFE];
	_ =	sdelay $0x1  }
0x8a: {  	s1 =	srdreg.scid  }
0x8b: {  	s0 =	sand.u32 $0x1, s1  }
0x8c: {  	s17 =	sshll.u32 s0, $0xA;
	s2 =	sadd.s32 s3, s2  }
0x8d: {  	s2 =	sadd.s32 s2, s17  }
0x8e: {  	[smem:$0x3FC2] =	sst s2  }
0x8f: {  	_ = 	snop  }
0x90: {  	s2 =	sld [smem:$0x3FD0];
	(tm) =	ssettm $0x1  }
0x91: {  	s18 =	sld [smem:$0x3FFB];
	_ =	sdelay $0x3  }
0x92: {  	_ =	strace s18  }
0x93: {  	s3 =	sld [smem:$0x3FFC];
	_ =	sdelay $0x3  }
0x94: {  	_ =	strace s3  }
0x95: {  	s3 =	sld [smem:$0x3FFD];
	_ =	sdelay $0x3  }
0x96: {  	_ =	strace s3  }
0x97: {  	_ =	strace $0x8FFFFFFF  }
0x98: {  	s19 =	sld [smem:$0x3FDB];
	_ =	sdelay $0x1  }
0x99: {  	s4 =	simm.s32 $_scs_section_size  }
0x9a: {  	s5 =	simm.s32 $_size__tile_overlayer_lowered;
	s6 =	simm.s32 $_tile_overlayer_lowered  }
0x9b: {  	s22 =	simm.s32 $0x1BFF;
	s21 =	sshll.u32 s6, $0x1;
	s3 =	sadd.s32 s4, s19  }
0x9c: {  	s7 =	simm.s32 $0x0;
	s20 =	sshll.u32 s5, $0x1;
	s5 =	sadd.s32 s21, s3  }
0x9d: {  	[timem:s7], [sflag:s22] =	dma.local [hbm:s5], s20  }
0x9e: {  	_ =	swait.ge [sflag:s22], s20  }
0x9f: {  	s4 =	ssub.s32 $0x0, s20;
	[sflag:s22] =	ssyncset.done $0x0  }
0xa0: {  	[sflag:s22] =	ssyncadd.s32 s4;
	_ =	sdelay $0x1  }
0xa1: {  	s23 =	simm.s32 $0x1B8B  }
0xa2: {  	_ =	swait.ge [sflag:s23], $0x1  }
0xa3: {  	[sflag:s23] =	ssyncset.done $0x0  }
0xa4: {  	s25 =	simm.s32 $0x1B8E;
	s24 =	sld [smem:$0x3FFE];
	[sflag:s23] =	ssyncadd.s32 $0xFFFFFFFF  }
0xa5: {  	s26 =	simm.s32 $execute0_lowered;
	[smem:$0x3FD2] =	sst s25  }
0xa6: {  	s5 =	sshll.u32 s26, $0x1;
	_ =	strace $0x80000046;
	[dreg:$0x1] =	wrdreg $0xFFFFFFFF  }
0xa7: {  	s28 =	simm.s32 $_size_execute0_lowered;
	s3 =	sadd.s32 s3, s5;
	[dreg:$0x0] =	wrdreg $0x0  }
0xa8: {  	s5 =	sshll.u32 s28, $0x1;
	[dreg:$0x2] =	wrdreg s3  }
0xa9: {  	[dreg:$0x3] =	wrdreg s5  }
0xaa: {  	[dreg:$0x4] =	wrdreg $0xC0  }
0xab: {  	_ =	task [dreg:s7], $0x5FFFF  }
0xac: {  	[dreg:$0x1] =	wrdreg $0xFFFFFFFF  }
0xad: {  	[dreg:$0x0] =	wrdreg $0x60  }
0xae: {  	[dreg:$0x2] =	wrdreg s2  }
0xaf: {  	[dreg:$0x3] =	wrdreg s24  }
0xb0: {  	[dreg:$0x4] =	wrdreg $0x9  }
0xb1: {  	_ =	task.clear_ibuf [dreg:s7], $0x5FFFF;
	_ =	strace $0x90000046  }
0xb2: {  	s29 =	simm.s32 $0x9;
	_ =	strace $0x80000048  }
0xb3: {  	_ =	swait.ge [sflag:s29], $0x1  }
0xb4: {  	[sflag:s29] =	ssyncadd.s32 $0xFFFFFFFF  }
0xb5: {  	_ =	strace $0x90000048  }
0xb6: {  	_ =	sfence  }
0xb7: {  	s30 =	sld [smem:$0x0];
	_ =	sdelay $0x2  }
0xb8: {  	s31 =	sshll.u32 s1, $0xD;
	s1 =	sshrl.u32 s1, $0x2  }
0xb9: {  	s3 =	sand.u32 $0x4000, s31;
	s1 =	sadd.s32 s1, s30  }
0xba: {  	s0 =	sor.u32 s3, s0;
	s1 =	sshll.u32 s1, $0x11  }
0xbb: {  	s0 =	sor.u32 s1, s0  }
0xbc: {  	s0 =	sadd.s32 $0x8F2B, s0  }
0xbd: {  	[sflag:s0] =	ssyncadd.remote.s32 $0x1  }
0xbe: {  	_ =	sfence.sel $0xFFFF  }
0xbf: {  	[dreg:$0x0] =	wrdreg $0xFFFFFFFF;
	(pc) =	sbr.abs _section_cstart, $3  }
0xc0: {  	[dreg:$0x1] =	wrdreg $0xFFFFFFFF  }
0xc1: {  	_ =	task.clear_ibuf [dreg:s7], $0x2FFFF;
	_ =	strace $0x9FFFFFFF  }
0xc2: {  	(tm) =	ssettm $0x7FFFFFFF  }
0xc3: {  	_ =	shalt  }
tec
execute0_lowered:
.L_overlay_start_1:
0x0: {  	(tag) =	ssettag $0x1  }
0x1: {  	s0 =	rddreg [dreg:$0x0]  }
0x2: {  	s5 =	rddreg [dreg:$0x1];
	s2 =	srdreg.scid  }
0x3: {  	s1 =	stileid.u32;
	s23 =	simm.s32 $0x880;
	s24 =	simm.s32 $0x1080  }
0x4: {  	s25 =	simm.s32 $0x1880;
	s26 =	simm.s32 $0x2080;
	s9 =	simm.s32 $0xC080  }
0x5: {  	s11 =	simm.s32 $0x3080;
	s12 =	simm.s32 $0x3880;
	s13 =	simm.s32 $0x4080  }
0x6: {  	s14 =	simm.s32 $0x4880;
	s15 =	simm.s32 $0x5080;
	s16 =	simm.s32 $0x5880  }
0x7: {  	s17 =	simm.s32 $0x6080;
	s18 =	simm.s32 $0x6880;
	s28 =	simm.s32 $0xB080  }
0x8: {  	s29 =	simm.s32 $0xB880;
	s3 =	sand.u32 $0x1, s2;
	s2 =	simm.s32 $0x0  }
0x9: {  	s30 =	simm.s32 $0x40;
	s8 =	sadd.s32 $0x39600, s5;
	[smem:$0x7FF] =	sst s2  }
0xa: {  	s31 =	simm.s32 $0x1;
	_ =	strace $0x80000047;
	[dreg:$0x3] =	wrdreg s8  }
0xb: {  	s4 =	sshll.u32 s1, $0x7;
	s6 =	sshll.u32 s3, $0x6;
	[dreg:$0x7] =	wrdreg s23  }
0xc: {  	s19 =	ssub.s32 $0x2, s3;
	s3 =	sadd.s32 $0x9600, s5;
	[dreg:$0x8] =	wrdreg s24  }
0xd: {  	s4 =	sor.u32 s6, s4;
	s20 =	sshrl.u32 s19, $0x1;
	[dreg:$0x9] =	wrdreg s25  }
0xe: {  	s8 =	simm.s32 $0x80;
	[dreg:$0xa] =	wrdreg s26;
	s23 =	simm.s32 $0x9080  }
0xf: {  	s24 =	simm.s32 $0x9880;
	s25 =	simm.s32 $0xA080;
	s26 =	simm.s32 $0xA880  }
0x10: {  	s6 =	sshll.u32 s4, $0x4;
	s4 =	sshrl.u32 s4, $0x3;
	s22 =	ssub.s32 s19, s20  }
0x11: {  	s19 =	simm.s32 $0x7080;
	s20 =	simm.s32 $0x7880;
	s7 =	sadd.s32 s4, s5  }
0x12: {  	s4 =	smul.u32 $0x300, s4;
	s6 =	sadd.s32 s6, s5;
	s7 =	sadd.s32 $0x9400, s7  }
0x13: {  	s21 =	sadd.s32 $0x1400, s6;
	s6 =	smax.u32 s22, $0x1;
	[dreg:$0x4] =	wrdreg s7  }
0x14: {  	v2 =	vlaneseq.u32;
	s22 =	simm.s32 $0x8880;
	s0 =	sadd.s32 s0, s4;
	[dreg:$0x6] =	wrdreg s21  }
0x15: {  	vm0 =	vmmov $0xffff;
	v1 =	vshrl.u32 v2, $0x3;
	s4 =	sadd.s32 $0x9700, s5;
	s5 =	sadd.s32 $0x9800, s5;
	s7 =	simm.s32 $0x3  }
0x16: {  	v0 =	vand.u32 $0x7, v2;
	v2 =	vor.u32 $0x8, v2;
	v1 =	vmul.u32 $0x8, v1;
	s21 =	simm.s32 $0x8080;
	[dreg:$0x5] =	wrdreg s0;
	s0 =	simm.s32 $0x2  }
.LBB2_1:
0x17: {  	s1 =	rddreg [dreg:$0x4]  }
0x18: {  	[tilespmem:s2], [sflag:$0x3] =	stream.linear.gather [hbm4b:s1+s2], $0x40, $0x38;
	[tilespmem:$0xE080] =	vst v63  }
0x19: {  	_ =	swait.ge [sflag:s7], $0x40  }
0x1a: {  	[sflag:s7] =	ssyncset.done $0x0  }
0x1b: {  	s10 =	rddreg [dreg:$0x5];
	[sflag:s7] =	ssyncadd.s32 $0xFFFFFFC0  }
0x1c: {  	[tilespmem:s8], [sflag:$0x3] =	stream.linear.gather [hbm4b:s10+s2], $0xC000, $0x38;
	[tilespmem:$0xE080] =	vst v63  }
0x1d: {  	_ =	swait.ge [sflag:s7], $0xC000  }
0x1e: {  	[sflag:s7] =	ssyncset.done $0x0  }
0x1f: {  	s10 =	rddreg [dreg:$0x6];
	[sflag:s7] =	ssyncadd.s32 $0xFFFF4000  }
0x20: {  	[tilespmem:s9], [sflag:$0x3] =	stream.linear.gather [hbm4b:s10+s2], $0x2000, $0x38;
	[tilespmem:$0xE080] =	vst v63  }
0x21: {  	_ =	swait.ge [sflag:s7], $0x2000  }
0x22: {  	[sflag:s7] =	ssyncset.done $0x0  }
0x23: {  	[sflag:s7] =	ssyncadd.s32 $0xFFFFE000  }
0x24: {  	v3 =	vld [tilespmem:$0x0];
	_ =	sdelay $0x4  }
0x25: {  	v4 =	vshrl.u32 v3, $0x3  }
0x26: {  	v4 =	vmul.u32 $0x30, v4  }
0x27: {  	v3 =	vand.u32 $0x7, v3  }
0x28: {  	v3 =	vor.u32 v3, v4  }
0x29: {  	v4 =	vperm.xlane v3, v0;
	_ =	sdelay $0x1  }
0x2a: {  	v4 =	vadd.s32 v1, v4;
	_ =	sdelay $0x3  }
0x2b: {  	v3 =	vperm.xlane v3, v2  }
0x2c: {  	[hbm4b:s3+s2] =	stream.indirect_vreg.scatter [tilespmem:s8], [sflag:$0x1], $0x80, v4, vm0, $0xb8;
	[tilespmem:$0xE080] =	vst v63  }
0x2d: {  	s1 =	rddreg [dreg:$0x7];
	v3 =	vadd.s32 v1, v3  }
0x2e: {  	[hbm4b:s4+s2] =	stream.indirect_vreg.scatter [tilespmem:s1], [sflag:$0x1], $0x80, v4, vm0, $0xb8;
	[tilespmem:$0xE080] =	vst v63  }
0x2f: {  	s10 =	rddreg [dreg:$0x8]  }
0x30: {  	[hbm4b:s5+s2] =	stream.indirect_vreg.scatter [tilespmem:s10], [sflag:$0x1], $0x80, v4, vm0, $0xb8;
	[tilespmem:$0xE080] =	vst v63  }
0x31: {  	s1 =	rddreg [dreg:$0x9]  }
0x32: {  	[hbm4b:s3+s2] =	stream.indirect_vreg.scatter [tilespmem:s1], [sflag:$0x1], $0x80, v3, vm0, $0xb8;
	[tilespmem:$0xE080] =	vst v63  }
0x33: {  	s10 =	rddreg [dreg:$0xa]  }
0x34: {  	[hbm4b:s4+s2] =	stream.indirect_vreg.scatter [tilespmem:s10], [sflag:$0x1], $0x80, v3, vm0, $0xb8;
	[tilespmem:$0xE080] =	vst v63  }
0x35: {  	s10 =	simm.s32 $0x2880  }
0x36: {  	[hbm4b:s5+s2] =	stream.indirect_vreg.scatter [tilespmem:s10], [sflag:$0x1], $0x80, v3, vm0, $0xb8;
	[tilespmem:$0xE080] =	vst v63  }
0x37: {  	v3 =	vld [tilespmem:$0x10];
	_ =	sdelay $0x4  }
0x38: {  	v61 =	vshrl.u32 v3, $0x3  }
0x39: {  	v4 =	vmul.u32 $0x30, v61  }
0x3a: {  	v3 =	vand.u32 $0x7, v3  }
0x3b: {  	v3 =	vor.u32 v3, v4  }
0x3c: {  	v4 =	vperm.xlane v3, v0;
	_ =	sdelay $0x1  }
0x3d: {  	v4 =	vadd.s32 v1, v4;
	_ =	sdelay $0x3  }
0x3e: {  	v3 =	vperm.xlane v3, v2  }
0x3f: {  	[hbm4b:s3+s2] =	stream.indirect_vreg.scatter [tilespmem:s11], [sflag:$0x1], $0x80, v4, vm0, $0xb8;
	[tilespmem:$0xE080] =	vst v63  }
0x40: {  	v3 =	vadd.s32 v1, v3  }
0x41: {  	[hbm4b:s4+s2] =	stream.indirect_vreg.scatter [tilespmem:s12], [sflag:$0x1], $0x80, v4, vm0, $0xb8;
	[tilespmem:$0xE080] =	vst v63  }
0x42: {  	_ = 	snop  }
0x43: {  	[hbm4b:s5+s2] =	stream.indirect_vreg.scatter [tilespmem:s13], [sflag:$0x1], $0x80, v4, vm0, $0xb8;
	[tilespmem:$0xE080] =	vst v63  }
0x44: {  	_ = 	snop  }
0x45: {  	[hbm4b:s3+s2] =	stream.indirect_vreg.scatter [tilespmem:s14], [sflag:$0x1], $0x80, v3, vm0, $0xb8;
	[tilespmem:$0xE080] =	vst v63  }
0x46: {  	_ = 	snop  }
0x47: {  	[hbm4b:s4+s2] =	stream.indirect_vreg.scatter [tilespmem:s15], [sflag:$0x1], $0x80, v3, vm0, $0xb8;
	[tilespmem:$0xE080] =	vst v63  }
0x48: {  	_ = 	snop  }
0x49: {  	[hbm4b:s5+s2] =	stream.indirect_vreg.scatter [tilespmem:s16], [sflag:$0x1], $0x80, v3, vm0, $0xb8;
	[tilespmem:$0xE080] =	vst v63  }
0x4a: {  	v3 =	vld [tilespmem:$0x20];
	_ =	sdelay $0x4  }
0x4b: {  	v62 =	vshrl.u32 v3, $0x3  }
0x4c: {  	v4 =	vmul.u32 $0x30, v62  }
0x4d: {  	v3 =	vand.u32 $0x7, v3  }
0x4e: {  	v3 =	vor.u32 v3, v4  }
0x4f: {  	v4 =	vperm.xlane v3, v0;
	_ =	sdelay $0x1  }
0x50: {  	v4 =	vadd.s32 v1, v4;
	_ =	sdelay $0x3  }
0x51: {  	v3 =	vperm.xlane v3, v2  }
0x52: {  	[hbm4b:s3+s2] =	stream.indirect_vreg.scatter [tilespmem:s17], [sflag:$0x1], $0x80, v4, vm0, $0xb8;
	[tilespmem:$0xE080] =	vst v63  }
0x53: {  	v3 =	vadd.s32 v1, v3  }
0x54: {  	[hbm4b:s4+s2] =	stream.indirect_vreg.scatter [tilespmem:s18], [sflag:$0x1], $0x80, v4, vm0, $0xb8;
	[tilespmem:$0xE080] =	vst v63  }
0x55: {  	_ = 	snop  }
0x56: {  	[hbm4b:s5+s2] =	stream.indirect_vreg.scatter [tilespmem:s19], [sflag:$0x1], $0x80, v4, vm0, $0xb8;
	[tilespmem:$0xE080] =	vst v63  }
0x57: {  	_ = 	snop  }
0x58: {  	[hbm4b:s3+s2] =	stream.indirect_vreg.scatter [tilespmem:s20], [sflag:$0x1], $0x80, v3, vm0, $0xb8;
	[tilespmem:$0xE080] =	vst v63  }
0x59: {  	_ = 	snop  }
0x5a: {  	[hbm4b:s4+s2] =	stream.indirect_vreg.scatter [tilespmem:s21], [sflag:$0x1], $0x80, v3, vm0, $0xb8;
	[tilespmem:$0xE080] =	vst v63  }
0x5b: {  	_ = 	snop  }
0x5c: {  	[hbm4b:s5+s2] =	stream.indirect_vreg.scatter [tilespmem:s22], [sflag:$0x1], $0x80, v3, vm0, $0xb8;
	[tilespmem:$0xE080] =	vst v63  }
0x5d: {  	v3 =	vld [tilespmem:$0x30];
	_ =	sdelay $0x4  }
0x5e: {  	v63 =	vshrl.u32 v3, $0x3  }
0x5f: {  	v4 =	vmul.u32 $0x30, v63  }
0x60: {  	v3 =	vand.u32 $0x7, v3  }
0x61: {  	v3 =	vor.u32 v3, v4  }
0x62: {  	v4 =	vperm.xlane v3, v0;
	_ =	sdelay $0x1  }
0x63: {  	v4 =	vadd.s32 v1, v4;
	_ =	sdelay $0x3  }
0x64: {  	v3 =	vperm.xlane v3, v2  }
0x65: {  	[hbm4b:s3+s2] =	stream.indirect_vreg.scatter [tilespmem:s23], [sflag:$0x1], $0x80, v4, vm0, $0xb8;
	[tilespmem:$0xE080] =	vst v63  }
0x66: {  	v3 =	vadd.s32 v1, v3  }
0x67: {  	[hbm4b:s4+s2] =	stream.indirect_vreg.scatter [tilespmem:s24], [sflag:$0x1], $0x80, v4, vm0, $0xb8;
	[tilespmem:$0xE080] =	vst v63  }
0x68: {  	_ = 	snop  }
0x69: {  	[hbm4b:s5+s2] =	stream.indirect_vreg.scatter [tilespmem:s25], [sflag:$0x1], $0x80, v4, vm0, $0xb8;
	[tilespmem:$0xE080] =	vst v63  }
0x6a: {  	_ = 	snop  }
0x6b: {  	[hbm4b:s3+s2] =	stream.indirect_vreg.scatter [tilespmem:s26], [sflag:$0x1], $0x80, v3, vm0, $0xb8;
	[tilespmem:$0xE080] =	vst v63  }
0x6c: {  	_ = 	snop  }
0x6d: {  	[hbm4b:s4+s2] =	stream.indirect_vreg.scatter [tilespmem:s28], [sflag:$0x1], $0x80, v3, vm0, $0xb8;
	[tilespmem:$0xE080] =	vst v63  }
0x6e: {  	_ = 	snop  }
0x6f: {  	[hbm4b:s5+s2] =	stream.indirect_vreg.scatter [tilespmem:s29], [sflag:$0x1], $0x80, v3, vm0, $0xb8;
	[tilespmem:$0xE080] =	vst v63  }
0x70: {  	s10 =	rddreg [dreg:$0x3]  }
0x71: {  	[hbm4b:s10+s30] =	stream.indirect.scatter [tilespmem:s9], [sflag:$0x2], $0x80, s2, s30, $0xb8;
	[tilespmem:$0xE080] =	vst v63  }
0x72: {  	p0 =	sne.s32 s6, $0x1;
	_ =	swait.ge [sflag:s31], $0xC000  }
.Ltmp0:
0x73: {  	[sflag:s31] =	ssyncset.done $0x0;
	(pc) =	sbr.rel @p0 .LBB2_1-.Ltmp0, $4  }
0x74: {  	[sflag:s31] =	ssyncadd.s32 $0xFFFF4000  }
0x75: {  	_ =	swait.ge [sflag:s0], $0x2000  }
0x76: {  	[sflag:s0] =	ssyncset.done $0x0  }
0x77: {  	s6 =	sadd.s32 $0xFFFFFFFF, s6;
	[sflag:s0] =	ssyncadd.s32 $0xFFFFE000  }
0x78: {  	_ =	sfence.sel $0x180000  }
0x79: {  	[bflag:$0x0] =	sbarrier.arrive $0xFFFF  }
0x7a: {  	_ =	strace $0x90000047  }
0x7b: {  	s0 =	stileid.u32;
	[bflag:$0x2] =	sbarrier.arrive $0xFFFF  }
0x7c: {  	p0 =	sne.s32 s0, $0x0;
	s0 =	rddreg [dreg:$0x2]  }
0x7d: {  	s0 =	sadd.s32 @!p0 $0x100000, s0  }
0x7e: {  	[sflag:s0] =	ssyncadd.tile.s32 @!p0 $0x1;
	_ =	shalt  }
.Lfunc_end2:
_tile_overlayer_lowered:
.L_overlay_start_2:
0x7f: {  	(tag) =	ssettag $0x2  }
0x80: {  	s0 =	rddreg [dreg:$0x0];
	s2 =	stileid.u32  }
0x81: {  	s1 =	rddreg [dreg:$0x1];
	p0 =	sne.s32 s2, $0x0  }
0x82: {  	s3 =	rddreg [dreg:$0x2];
	[bflag:$0x3] =	sbarrier.arrive $0xFFFF;
	s2 =	simm.s32 @!p0 $0x1C03  }
0x83: {  	[timem:s3], [sflag:s2] =	dma.local @!p0 [hbm:s0], s1  }
0x84: {  	s0 =	simm.s32 @!p0 $0x3  }
0x85: {  	_ =	swait.ge @!p0 [sflag:s0], s1  }
0x86: {  	s1 =	ssub.s32 @!p0 $0x0, s1;
	[sflag:s0] =	ssyncset.done @!p0 $0x0  }
0x87: {  	[sflag:s0] =	ssyncadd.s32 @!p0 s1  }
0x88: {  	[bflag:$0x3] =	sbarrier.arrive $0xFFFF  }
0x89: {  	_ =	shalt  }

// kernel: kernel.9.cloned.1.call-start
scs
__scs_entry_jumppad:
0x0: {  	(pc) =	sbr.rel $0x88, $3  }
0x1: {  	(tag) =	ssettag $0x0;
	lr =	simm.s32 $0x1  }
0x2: {  	[smem:$0x3F9B] =	sst lr;
	_ =	strace $0xD0000000  }
0x3: {  	_ = 	snop  }
0x4: {  	_ = 	snop  }
0x5: {  	_ = 	snop  }
0x6: {  	_ = 	snop  }
0x7: {  	_ = 	snop  }
__scs_overlays_trampoline_lowered:
0x8: {  	[smem:$0x3FAA] =	sst s0  }
0x9: {  	[smem:$0x3FAB] =	sst s1  }
0xa: {  	[smem:$0x3FAC] =	sst s2  }
0xb: {  	[smem:$0x3FAD] =	sst s3  }
0xc: {  	[smem:$0x3FAE] =	sst s4  }
0xd: {  	[smem:$0x3FAF] =	sst s5  }
0xe: {  	[smem:$0x3FB0] =	sst s6  }
0xf: {  	[smem:$0x3FB1] =	sst s7  }
0x10: {  	[smem:$0x3FB2] =	sst s8  }
0x11: {  	[smem:$0x3FB3] =	sst s9;
	s0 =	simm.s32 @!p0 $0x0  }
0x12: {  	s1 =	sld [smem:$0x3F99];
	s0 =	simm.s32 @p0 $0x1  }
0x13: {  	[smem:$0x3FB4] =	sst s0;
	s0 =	simm.s32 @!p1 $0x0  }
0x14: {  	s2 =	sld [smem:$0x3F98];
	s0 =	simm.s32 @p1 $0x1  }
0x15: {  	[smem:$0x3FB5] =	sst s0;
	s0 =	simm.s32 @!p2 $0x0  }
0x16: {  	s3 =	sld [smem:$0x3FDB];
	s0 =	simm.s32 @p2 $0x1  }
0x17: {  	s4 =	simm.s32 $0x1BF5;
	[smem:$0x3FB7] =	sst s0  }
0x18: {  	s0 =	sld [smem:$0x3F9A];
	_ =	swait.ge [sflag:s4], $0x0  }
0x19: {  	s7 =	sld [smem:$0x3F9B]  }
0x1a: {  	s8 =	sadd.s32 $0xFFFFE003, lr  }
0x1b: {  	s9 =	sadd.s32 $0xFFFFFEF7, lr;
	s5 =	simm.s32 $0xFFFFFFFF;
	p2 =	slt.u32 s8, $0xFFFFF086  }
0x1c: {  	p1 =	slt.u32 s9, $0xF7A;
	s5 =	simm.s32 @!p2 $0x0  }
0x1d: {  	s5 =	simm.s32 @p1 $0x1;
	p0 =	seq.s32 s7, s2  }
0x1e: {  	s7 =	smul.u32 @!p0 $0xF7A, s2;
	p2 =	seq.s32 @!p0 s5, $0x0  }
0x1f: {  	s9 =	smul.u32 $0xF7A, s1;
	s8 =	simm.s32 @!p0 $0x1BF5;
	p2 =	por !p2, p0  }
0x20: {  	[sflag:s8] =	ssyncset.s32 @!p0 $0xFFFFF086;
	s6 =	sadd.s32 @!p0 s3, s7;
	s7 =	simm.s32 @!p0 $0x108  }
0x21: {  	s3 =	sadd.s32 s3, s9;
	s6 =	sadd.s32 @!p0 $0x88, s6;
	s7 =	simm.s32 @p2 $0x1082  }
0x22: {  	[simem:s7], [sflag:s8] =	dma.local @!p0 [hbm:s6], $0xF7A  }
0x23: {  	s9 =	sor.u32 $0xD0000000, s2;
	s6 =	simm.s32 $0x108;
	_ =	swait.ge @!p0 [sflag:s8], $0x0  }
0x24: {  	s3 =	sadd.s32 $0x88, s3;
	s6 =	simm.s32 @!p1 $0x1082;
	[sflag:s4] =	ssyncset.s32 $0xFFFFF086  }
0x25: {  	[simem:s6], [sflag:s4] =	dma.local [hbm:s3], $0xF7A  }
0x26: {  	[smem:$0x3F9B] =	sst s1;
	(tag) =	ssettag s2;
	_ =	strace s9  }
0x27: {  	s1 =	sld [smem:$0x3FAB]  }
0x28: {  	s2 =	sld [smem:$0x3FAC]  }
0x29: {  	s4 =	sld [smem:$0x3FAE]  }
0x2a: {  	p0 =	seq.s32 s5, $0x0;
	s5 =	sld [smem:$0x3FAF]  }
0x2b: {  	s6 =	sld [smem:$0x3FB0]  }
0x2c: {  	s7 =	sld [smem:$0x3FB1]  }
0x2d: {  	s3 =	simm.s32 $0x108;
	s8 =	sld [smem:$0x3FB2]  }
0x2e: {  	s3 =	simm.s32 @!p0 $0x1082;
	s9 =	sld [smem:$0x3FB3]  }
0x2f: {  	lr =	sadd.s32 s0, s3;
	s0 =	sld [smem:$0x3FAA]  }
0x30: {  	s3 =	sld [smem:$0x3FAD]  }
0x31: {  	[smem:$0x3FB6] =	sst s10  }
0x32: {  	s10 =	sld [smem:$0x3FB4];
	_ =	sdelay $0x3  }
0x33: {  	p0 =	seq.s32 s10, $0x1;
	s10 =	sld [smem:$0x3FB6];
	_ =	sdelay $0x3  }
0x34: {  	[smem:$0x3FB6] =	sst s10  }
0x35: {  	s10 =	sld [smem:$0x3FB5];
	_ =	sdelay $0x3  }
0x36: {  	p1 =	seq.s32 s10, $0x1;
	s10 =	sld [smem:$0x3FB6];
	_ =	sdelay $0x3  }
0x37: {  	[smem:$0x3FB6] =	sst s10  }
0x38: {  	s10 =	sld [smem:$0x3FB7]  }
0x39: {  	_ = 	snop;
	(pc) =	sbr.ind lr, $3  }
0x3a: {  	_ = 	snop  }
0x3b: {  	_ = 	snop  }
0x3c: {  	p2 =	seq.s32 s10, $0x1;
	s10 =	sld [smem:$0x3FB6]  }
0x3d: {  	_ =	shalt  }
0x3e: {  	_ =	shalt  }
0x3f: {  	_ =	shalt  }
0x40: {  	_ =	shalt  }
0x41: {  	_ =	shalt  }
0x42: {  	_ =	shalt  }
0x43: {  	_ =	shalt  }
0x44: {  	_ =	shalt  }
0x45: {  	_ =	shalt  }
0x46: {  	_ =	shalt  }
0x47: {  	_ =	shalt  }
0x48: {  	_ =	shalt  }
0x49: {  	_ =	shalt  }
0x4a: {  	_ =	shalt  }
0x4b: {  	_ =	shalt  }
0x4c: {  	_ =	shalt  }
0x4d: {  	_ =	shalt  }
0x4e: {  	_ =	shalt  }
0x4f: {  	_ =	shalt  }
0x50: {  	_ =	shalt  }
0x51: {  	_ =	shalt  }
0x52: {  	_ =	shalt  }
0x53: {  	_ =	shalt  }
0x54: {  	_ =	shalt  }
0x55: {  	_ =	shalt  }
0x56: {  	_ =	shalt  }
0x57: {  	_ =	shalt  }
0x58: {  	_ =	shalt  }
0x59: {  	_ =	shalt  }
0x5a: {  	_ =	shalt  }
0x5b: {  	_ =	shalt  }
0x5c: {  	_ =	shalt  }
0x5d: {  	_ =	shalt  }
0x5e: {  	_ =	shalt  }
0x5f: {  	_ =	shalt  }
0x60: {  	_ =	shalt  }
0x61: {  	_ =	shalt  }
0x62: {  	_ =	shalt  }
0x63: {  	_ =	shalt  }
0x64: {  	_ =	shalt  }
0x65: {  	_ =	shalt  }
0x66: {  	_ =	shalt  }
0x67: {  	_ =	shalt  }
0x68: {  	_ =	shalt  }
0x69: {  	_ =	shalt  }
0x6a: {  	_ =	shalt  }
0x6b: {  	_ =	shalt  }
0x6c: {  	_ =	shalt  }
0x6d: {  	_ =	shalt  }
0x6e: {  	_ =	shalt  }
0x6f: {  	_ =	shalt  }
0x70: {  	_ =	shalt  }
0x71: {  	_ =	shalt  }
0x72: {  	_ =	shalt  }
0x73: {  	_ =	shalt  }
0x74: {  	_ =	shalt  }
0x75: {  	_ =	shalt  }
0x76: {  	_ =	shalt  }
0x77: {  	_ =	shalt  }
0x78: {  	_ =	shalt  }
0x79: {  	_ =	shalt  }
0x7a: {  	_ =	shalt  }
0x7b: {  	_ =	shalt  }
0x7c: {  	_ =	shalt  }
0x7d: {  	_ =	shalt  }
0x7e: {  	_ =	shalt  }
0x7f: {  	_ =	shalt  }
0x80: {  	_ =	shalt  }
0x81: {  	_ =	shalt  }
0x82: {  	_ =	shalt  }
0x83: {  	_ =	shalt  }
0x84: {  	_ =	shalt  }
0x85: {  	_ =	shalt  }
0x86: {  	_ =	shalt  }
0x87: {  	_ =	shalt  }
.Lfunc_end0:
.L_simem_size_0:
called_computation.1_lowered:
.L_overlay_start_0:
0x88: {  	s2 =	sld [smem:$0x3FD9]  }
0x89: {  	s3 =	sld [smem:$0x3FFE];
	_ =	sdelay $0x1  }
0x8a: {  	s1 =	srdreg.scid  }
0x8b: {  	s0 =	sand.u32 $0x1, s1  }
0x8c: {  	s17 =	sshll.u32 s0, $0xA;
	s2 =	sadd.s32 s3, s2  }
0x8d: {  	s2 =	sadd.s32 s2, s17  }
0x8e: {  	[smem:$0x3FC2] =	sst s2  }
0x8f: {  	_ = 	snop  }
0x90: {  	s2 =	sld [smem:$0x3FD0];
	(tm) =	ssettm $0x1  }
0x91: {  	s18 =	sld [smem:$0x3FFB];
	_ =	sdelay $0x3  }
0x92: {  	_ =	strace s18  }
0x93: {  	s3 =	sld [smem:$0x3FFC];
	_ =	sdelay $0x3  }
0x94: {  	_ =	strace s3  }
0x95: {  	s3 =	sld [smem:$0x3FFD];
	_ =	sdelay $0x3  }
0x96: {  	_ =	strace s3  }
0x97: {  	_ =	strace $0x8FFFFFFF  }
0x98: {  	s19 =	sld [smem:$0x3FDB];
	_ =	sdelay $0x1  }
0x99: {  	s4 =	simm.s32 $_scs_section_size  }
0x9a: {  	s5 =	simm.s32 $_size__tile_overlayer_lowered;
	s6 =	simm.s32 $_tile_overlayer_lowered  }
0x9b: {  	s22 =	simm.s32 $0x1BFF;
	s21 =	sshll.u32 s6, $0x1;
	s3 =	sadd.s32 s4, s19  }
0x9c: {  	s7 =	simm.s32 $0x0;
	s20 =	sshll.u32 s5, $0x1;
	s5 =	sadd.s32 s21, s3  }
0x9d: {  	[timem:s7], [sflag:s22] =	dma.local [hbm:s5], s20  }
0x9e: {  	_ =	swait.ge [sflag:s22], s20  }
0x9f: {  	s4 =	ssub.s32 $0x0, s20;
	[sflag:s22] =	ssyncset.done $0x0  }
0xa0: {  	[sflag:s22] =	ssyncadd.s32 s4;
	_ =	sdelay $0x1  }
0xa1: {  	s23 =	simm.s32 $0x1B8B  }
0xa2: {  	_ =	swait.ge [sflag:s23], $0x1  }
0xa3: {  	[sflag:s23] =	ssyncset.done $0x0  }
0xa4: {  	s25 =	simm.s32 $0x1B8E;
	s24 =	sld [smem:$0x3FFE];
	[sflag:s23] =	ssyncadd.s32 $0xFFFFFFFF  }
0xa5: {  	s26 =	simm.s32 $execute0_lowered;
	[smem:$0x3FD2] =	sst s25  }
0xa6: {  	s5 =	sshll.u32 s26, $0x1;
	_ =	strace $0x80000049;
	[dreg:$0x1] =	wrdreg $0xFFFFFFFF  }
0xa7: {  	s28 =	simm.s32 $_size_execute0_lowered;
	s3 =	sadd.s32 s3, s5;
	[dreg:$0x0] =	wrdreg $0x0  }
0xa8: {  	s5 =	sshll.u32 s28, $0x1;
	[dreg:$0x2] =	wrdreg s3  }
0xa9: {  	[dreg:$0x3] =	wrdreg s5  }
0xaa: {  	[dreg:$0x4] =	wrdreg $0xC0  }
0xab: {  	_ =	task [dreg:s7], $0x5FFFF  }
0xac: {  	[dreg:$0x1] =	wrdreg $0xFFFFFFFF  }
0xad: {  	[dreg:$0x0] =	wrdreg $0x60  }
0xae: {  	[dreg:$0x2] =	wrdreg s24  }
0xaf: {  	[dreg:$0x3] =	wrdreg s2  }
0xb0: {  	[dreg:$0x4] =	wrdreg $0x9  }
0xb1: {  	_ =	task.clear_ibuf [dreg:s7], $0x5FFFF;
	_ =	strace $0x90000049  }
0xb2: {  	s29 =	simm.s32 $0x9;
	_ =	strace $0x8000004B  }
0xb3: {  	_ =	swait.ge [sflag:s29], $0x1  }
0xb4: {  	[sflag:s29] =	ssyncadd.s32 $0xFFFFFFFF  }
0xb5: {  	_ =	strace $0x9000004B  }
0xb6: {  	_ =	sfence  }
0xb7: {  	s30 =	sld [smem:$0x0];
	_ =	sdelay $0x2  }
0xb8: {  	s31 =	sshll.u32 s1, $0xD;
	s1 =	sshrl.u32 s1, $0x2  }
0xb9: {  	s3 =	sand.u32 $0x4000, s31;
	s1 =	sadd.s32 s1, s30  }
0xba: {  	s0 =	sor.u32 s3, s0;
	s1 =	sshll.u32 s1, $0x11  }
0xbb: {  	s0 =	sor.u32 s1, s0  }
0xbc: {  	s0 =	sadd.s32 $0x8F2B, s0  }
0xbd: {  	[sflag:s0] =	ssyncadd.remote.s32 $0x1  }
0xbe: {  	_ =	sfence.sel $0xFFFF  }
0xbf: {  	[dreg:$0x0] =	wrdreg $0xFFFFFFFF;
	(pc) =	sbr.abs _section_cstart, $3  }
0xc0: {  	[dreg:$0x1] =	wrdreg $0xFFFFFFFF  }
0xc1: {  	_ =	task.clear_ibuf [dreg:s7], $0x2FFFF;
	_ =	strace $0x9FFFFFFF  }
0xc2: {  	(tm) =	ssettm $0x7FFFFFFF  }
0xc3: {  	_ =	shalt  }
tec
execute0_lowered:
.L_overlay_start_1:
0x0: {  	(tag) =	ssettag $0x1  }
0x1: {  	s0 =	rddreg [dreg:$0x0]  }
0x2: {  	s1 =	rddreg [dreg:$0x1]  }
0x3: {  	s3 =	srdreg.scid;
	s2 =	simm.s32 $0x0;
	s4 =	stileid.u32  }
0x4: {  	s9 =	simm.s32 $0x2;
	s10 =	simm.s32 $0x80;
	s21 =	simm.s32 $0x5880  }
0x5: {  	s22 =	simm.s32 $0x6080;
	s23 =	simm.s32 $0x6880;
	s24 =	simm.s32 $0x7080  }
0x6: {  	s28 =	simm.s32 $0x8880;
	s29 =	simm.s32 $0x9080;
	s30 =	simm.s32 $0x9880  }
0x7: {  	s31 =	simm.s32 $0xA080;
	s11 =	simm.s32 $0xB880;
	s12 =	simm.s32 $0x1  }
0x8: {  	s13 =	simm.s32 $0x300;
	s14 =	simm.s32 $0x0;
	s3 =	sand.u32 $0x1, s3  }
0x9: {  	[smem:$0x7FF] =	sst s2;
	s4 =	sshll.u32 s4, $0x7;
	s5 =	sshll.u32 s3, $0x6  }
0xa: {  	_ =	strace $0x8000004A;
	s25 =	ssub.s32 $0x2, s3;
	s3 =	sadd.s32 $0x9600, s0  }
0xb: {  	s4 =	sor.u32 s5, s4;
	s7 =	sshrl.u32 s25, $0x1;
	s5 =	sadd.s32 $0x9700, s0  }
0xc: {  	s6 =	sshrl.u32 s4, $0x3;
	s8 =	ssub.s32 s25, s7;
	s26 =	smul.u32 $0x60, s4  }
0xd: {  	v2 =	vlaneseq.u32;
	s25 =	simm.s32 $0x7880;
	s6 =	sadd.s32 s6, s0;
	s8 =	smax.u32 s8, $0x1  }
0xe: {  	vm0 =	vmmov $0xffff;
	v1 =	vshrl.u32 v2, $0x3;
	s4 =	sadd.s32 $0x9400, s6;
	s6 =	sadd.s32 $0x9800, s0;
	s7 =	sadd.s32 s1, s26  }
0xf: {  	v0 =	vand.u32 $0x7, v2;
	v2 =	vor.u32 $0x8, v2;
	v1 =	vmul.u32 $0x8, v1;
	s26 =	simm.s32 $0x8080;
	s0 =	simm.s32 $0xA880;
	s1 =	simm.s32 $0xB080  }
.LBB2_1:
0x10: {  	[tilespmem:s2], [sflag:$0x2] =	stream.linear.gather [hbm4b:s4+s2], $0x40, $0x38;
	[tilespmem:$0xC080] =	vst v63  }
0x11: {  	_ =	swait.ge [sflag:s9], $0x40  }
0x12: {  	[sflag:s9] =	ssyncset.done $0x0  }
0x13: {  	[sflag:s9] =	ssyncadd.s32 $0xFFFFFFC0  }
0x14: {  	v3 =	vld [tilespmem:$0x0];
	_ =	sdelay $0x4  }
0x15: {  	v4 =	vshrl.u32 v3, $0x3  }
0x16: {  	v4 =	vmul.u32 $0x30, v4  }
0x17: {  	v3 =	vand.u32 $0x7, v3  }
0x18: {  	v3 =	vor.u32 v3, v4  }
0x19: {  	v4 =	vperm.xlane v3, v0;
	_ =	sdelay $0x1  }
0x1a: {  	v4 =	vadd.s32 v1, v4;
	_ =	sdelay $0x3  }
0x1b: {  	v3 =	vperm.xlane v3, v2  }
0x1c: {  	[tilespmem:s10], [sflag:$0x1] =	stream.indirect_vreg.gather [hbm4b:s3+s2], $0x80, v4, vm0, $0xb8;
	[tilespmem:$0xC080] =	vst v63  }
0x1d: {  	s15 =	simm.s32 $0x880;
	v3 =	vadd.s32 v1, v3  }
0x1e: {  	[tilespmem:s15], [sflag:$0x1] =	stream.indirect_vreg.gather [hbm4b:s5+s2], $0x80, v4, vm0, $0xb8;
	[tilespmem:$0xC080] =	vst v63  }
0x1f: {  	s18 =	simm.s32 $0x1080  }
0x20: {  	[tilespmem:s18], [sflag:$0x1] =	stream.indirect_vreg.gather [hbm4b:s6+s2], $0x80, v4, vm0, $0xb8;
	[tilespmem:$0xC080] =	vst v63  }
0x21: {  	s19 =	simm.s32 $0x1880  }
0x22: {  	[tilespmem:s19], [sflag:$0x1] =	stream.indirect_vreg.gather [hbm4b:s3+s2], $0x80, v3, vm0, $0xb8;
	[tilespmem:$0xC080] =	vst v63  }
0x23: {  	s20 =	simm.s32 $0x2080  }
0x24: {  	[tilespmem:s20], [sflag:$0x1] =	stream.indirect_vreg.gather [hbm4b:s5+s2], $0x80, v3, vm0, $0xb8;
	[tilespmem:$0xC080] =	vst v63  }
0x25: {  	s16 =	simm.s32 $0x2880  }
0x26: {  	[tilespmem:s16], [sflag:$0x1] =	stream.indirect_vreg.gather [hbm4b:s6+s2], $0x80, v3, vm0, $0xb8;
	[tilespmem:$0xC080] =	vst v63  }
0x27: {  	v3 =	vld [tilespmem:$0x10];
	_ =	sdelay $0x4  }
0x28: {  	v61 =	vshrl.u32 v3, $0x3  }
0x29: {  	v4 =	vmul.u32 $0x30, v61  }
0x2a: {  	v3 =	vand.u32 $0x7, v3  }
0x2b: {  	v3 =	vor.u32 v3, v4  }
0x2c: {  	v4 =	vperm.xlane v3, v0;
	_ =	sdelay $0x1  }
0x2d: {  	v4 =	vadd.s32 v1, v4;
	_ =	sdelay $0x3  }
0x2e: {  	s17 =	simm.s32 $0x3080;
	v3 =	vperm.xlane v3, v2  }
0x2f: {  	[tilespmem:s17], [sflag:$0x1] =	stream.indirect_vreg.gather [hbm4b:s3+s2], $0x80, v4, vm0, $0xb8;
	[tilespmem:$0xC080] =	vst v63  }
0x30: {  	s18 =	simm.s32 $0x3880;
	v3 =	vadd.s32 v1, v3  }
0x31: {  	[tilespmem:s18], [sflag:$0x1] =	stream.indirect_vreg.gather [hbm4b:s5+s2], $0x80, v4, vm0, $0xb8;
	[tilespmem:$0xC080] =	vst v63  }
0x32: {  	s19 =	simm.s32 $0x4080  }
0x33: {  	[tilespmem:s19], [sflag:$0x1] =	stream.indirect_vreg.gather [hbm4b:s6+s2], $0x80, v4, vm0, $0xb8;
	[tilespmem:$0xC080] =	vst v63  }
0x34: {  	s20 =	simm.s32 $0x4880  }
0x35: {  	[tilespmem:s20], [sflag:$0x1] =	stream.indirect_vreg.gather [hbm4b:s3+s2], $0x80, v3, vm0, $0xb8;
	[tilespmem:$0xC080] =	vst v63  }
0x36: {  	s16 =	simm.s32 $0x5080  }
0x37: {  	[tilespmem:s16], [sflag:$0x1] =	stream.indirect_vreg.gather [hbm4b:s5+s2], $0x80, v3, vm0, $0xb8;
	[tilespmem:$0xC080] =	vst v63  }
0x38: {  	_ = 	snop  }
0x39: {  	[tilespmem:s21], [sflag:$0x1] =	stream.indirect_vreg.gather [hbm4b:s6+s2], $0x80, v3, vm0, $0xb8;
	[tilespmem:$0xC080] =	vst v63  }
0x3a: {  	v3 =	vld [tilespmem:$0x20];
	_ =	sdelay $0x4  }
0x3b: {  	v62 =	vshrl.u32 v3, $0x3  }
0x3c: {  	v4 =	vmul.u32 $0x30, v62  }
0x3d: {  	v3 =	vand.u32 $0x7, v3  }
0x3e: {  	v3 =	vor.u32 v3, v4  }
0x3f: {  	v4 =	vperm.xlane v3, v0;
	_ =	sdelay $0x1  }
0x40: {  	v4 =	vadd.s32 v1, v4;
	_ =	sdelay $0x3  }
0x41: {  	v3 =	vperm.xlane v3, v2  }
0x42: {  	[tilespmem:s22], [sflag:$0x1] =	stream.indirect_vreg.gather [hbm4b:s3+s2], $0x80, v4, vm0, $0xb8;
	[tilespmem:$0xC080] =	vst v63  }
0x43: {  	v3 =	vadd.s32 v1, v3  }
0x44: {  	[tilespmem:s23], [sflag:$0x1] =	stream.indirect_vreg.gather [hbm4b:s5+s2], $0x80, v4, vm0, $0xb8;
	[tilespmem:$0xC080] =	vst v63  }
0x45: {  	_ = 	snop  }
0x46: {  	[tilespmem:s24], [sflag:$0x1] =	stream.indirect_vreg.gather [hbm4b:s6+s2], $0x80, v4, vm0, $0xb8;
	[tilespmem:$0xC080] =	vst v63  }
0x47: {  	_ = 	snop  }
0x48: {  	[tilespmem:s25], [sflag:$0x1] =	stream.indirect_vreg.gather [hbm4b:s3+s2], $0x80, v3, vm0, $0xb8;
	[tilespmem:$0xC080] =	vst v63  }
0x49: {  	_ = 	snop  }
0x4a: {  	[tilespmem:s26], [sflag:$0x1] =	stream.indirect_vreg.gather [hbm4b:s5+s2], $0x80, v3, vm0, $0xb8;
	[tilespmem:$0xC080] =	vst v63  }
0x4b: {  	_ = 	snop  }
0x4c: {  	[tilespmem:s28], [sflag:$0x1] =	stream.indirect_vreg.gather [hbm4b:s6+s2], $0x80, v3, vm0, $0xb8;
	[tilespmem:$0xC080] =	vst v63  }
0x4d: {  	v3 =	vld [tilespmem:$0x30];
	_ =	sdelay $0x4  }
0x4e: {  	v63 =	vshrl.u32 v3, $0x3  }
0x4f: {  	v4 =	vmul.u32 $0x30, v63  }
0x50: {  	v3 =	vand.u32 $0x7, v3  }
0x51: {  	v3 =	vor.u32 v3, v4  }
0x52: {  	v4 =	vperm.xlane v3, v0;
	_ =	sdelay $0x1  }
0x53: {  	v4 =	vadd.s32 v1, v4;
	_ =	sdelay $0x3  }
0x54: {  	v3 =	vperm.xlane v3, v2  }
0x55: {  	[tilespmem:s29], [sflag:$0x1] =	stream.indirect_vreg.gather [hbm4b:s3+s2], $0x80, v4, vm0, $0xb8;
	[tilespmem:$0xC080] =	vst v63  }
0x56: {  	v3 =	vadd.s32 v1, v3  }
0x57: {  	[tilespmem:s30], [sflag:$0x1] =	stream.indirect_vreg.gather [hbm4b:s5+s2], $0x80, v4, vm0, $0xb8;
	[tilespmem:$0xC080] =	vst v63  }
0x58: {  	_ = 	snop  }
0x59: {  	[tilespmem:s31], [sflag:$0x1] =	stream.indirect_vreg.gather [hbm4b:s6+s2], $0x80, v4, vm0, $0xb8;
	[tilespmem:$0xC080] =	vst v63  }
0x5a: {  	_ = 	snop  }
0x5b: {  	[tilespmem:s0], [sflag:$0x1] =	stream.indirect_vreg.gather [hbm4b:s3+s2], $0x80, v3, vm0, $0xb8;
	[tilespmem:$0xC080] =	vst v63  }
0x5c: {  	_ = 	snop  }
0x5d: {  	[tilespmem:s1], [sflag:$0x1] =	stream.indirect_vreg.gather [hbm4b:s5+s2], $0x80, v3, vm0, $0xb8;
	[tilespmem:$0xC080] =	vst v63  }
0x5e: {  	_ = 	snop  }
0x5f: {  	[tilespmem:s11], [sflag:$0x1] =	stream.indirect_vreg.gather [hbm4b:s6+s2], $0x80, v3, vm0, $0xb8;
	[tilespmem:$0xC080] =	vst v63  }
0x60: {  	_ =	swait.ge [sflag:s12], $0xC000  }
0x61: {  	[sflag:s12] =	ssyncset.done $0x0  }
0x62: {  	s17 =	simm.s32 $0x80;
	[sflag:s12] =	ssyncadd.s32 $0xFFFF4000  }
0x63: {  	[hbm4b:s7+s10] =	stream.strided.scatter [tilespmem:s17], [sflag:$0x2], $0x400, s13, s10, $0x38;
	[tilespmem:$0xC080] =	vst v63  }
0x64: {  	s18 =	simm.s32 $0x480;
	s16 =	sadd.s32 $0x10, s7  }
0x65: {  	[hbm4b:s16+s10] =	stream.strided.scatter [tilespmem:s18], [sflag:$0x2], $0x400, s13, s10, $0x38;
	[tilespmem:$0xC080] =	vst v63  }
0x66: {  	s19 =	simm.s32 $0x880;
	s20 =	sadd.s32 $0x20, s7  }
0x67: {  	[hbm4b:s20+s10] =	stream.strided.scatter [tilespmem:s19], [sflag:$0x2], $0x400, s13, s10, $0x38;
	[tilespmem:$0xC080] =	vst v63  }
0x68: {  	s15 =	simm.s32 $0x1800;
	s17 =	simm.s32 $0xC80;
	s18 =	sadd.s32 $0x30, s7  }
0x69: {  	[hbm4b:s18+s10] =	stream.strided.scatter [tilespmem:s17], [sflag:$0x2], $0x400, s13, s10, $0x38;
	[tilespmem:$0xC080] =	vst v63  }
0x6a: {  	s16 =	sadd.s32 $0x300, s7;
	s19 =	simm.s32 $0x1080;
	s20 =	sadd.s32 $0x40, s7  }
0x6b: {  	[hbm4b:s20+s10] =	stream.strided.scatter [tilespmem:s19], [sflag:$0x2], $0x400, s13, s10, $0x38;
	[tilespmem:$0xC080] =	vst v63  }
0x6c: {  	s17 =	simm.s32 $0xC000;
	s18 =	simm.s32 $0x1480;
	s19 =	sadd.s32 $0x50, s7  }
.LBB2_2:
0x6d: {  	[hbm4b:s19+s10] =	stream.strided.scatter [tilespmem:s18], [sflag:$0x2], $0x400, s13, s10, $0x38;
	[tilespmem:$0xC080] =	vst v63  }
0x6e: {  	s18 =	smov.u32 s15;
	s15 =	smov.u32 s17  }
0x6f: {  	s20 =	sadd.s32 $0x6000, s17;
	s15 =	sshra.s32 s15, $0x2;
	s19 =	sadd.s32 $0x80, s18  }
0x70: {  	[hbm4b:s16+s10] =	stream.strided.scatter [tilespmem:s19], [sflag:$0x2], $0x400, s13, s10, $0x38;
	[tilespmem:$0xC080] =	vst v63  }
0x71: {  	p0 =	sne.s32 s17, $0x2A000;
	s17 =	sadd.s32 $0x480, s18;
	s19 =	sadd.s32 $0x10, s16  }
0x72: {  	[hbm4b:s19+s10] =	stream.strided.scatter [tilespmem:s17], [sflag:$0x2], $0x400, s13, s10, $0x38;
	[tilespmem:$0xC080] =	vst v63  }
0x73: {  	s17 =	sadd.s32 $0x880, s18;
	s19 =	sadd.s32 $0x20, s16  }
0x74: {  	[hbm4b:s19+s10] =	stream.strided.scatter [tilespmem:s17], [sflag:$0x2], $0x400, s13, s10, $0x38;
	[tilespmem:$0xC080] =	vst v63  }
.Ltmp0:
0x75: {  	s17 =	sadd.s32 $0xC80, s18;
	s19 =	sadd.s32 $0x30, s16;
	(pc) =	sbr.rel @p0 .LBB2_2-.Ltmp0, $4  }
0x76: {  	[hbm4b:s19+s10] =	stream.strided.scatter [tilespmem:s17], [sflag:$0x2], $0x400, s13, s10, $0x38;
	[tilespmem:$0xC080] =	vst v63  }
0x77: {  	s17 =	sadd.s32 $0x1080, s18;
	s19 =	sadd.s32 $0x40, s16;
	s18 =	sadd.s32 $0x1480, s18  }
0x78: {  	[hbm4b:s19+s10] =	stream.strided.scatter [tilespmem:s17], [sflag:$0x2], $0x400, s13, s10, $0x38;
	[tilespmem:$0xC080] =	vst v63  }
0x79: {  	s19 =	sadd.s32 $0x50, s16;
	s16 =	sadd.s32 $0x300, s16;
	s17 =	smov.u32 s20  }
0x7a: {  	[hbm4b:s19+s10] =	stream.strided.scatter [tilespmem:s18], [sflag:$0x2], $0x400, s13, s10, $0x38;
	[tilespmem:$0xC080] =	vst v63  }
0x7b: {  	s17 =	sadd.s32 $0x80, s15  }
0x7c: {  	[hbm4b:s16+s10] =	stream.strided.scatter [tilespmem:s17], [sflag:$0x2], $0x400, s13, s10, $0x38;
	[tilespmem:$0xC080] =	vst v63  }
0x7d: {  	s19 =	sadd.s32 $0x480, s15;
	s20 =	sadd.s32 $0x10, s16  }
0x7e: {  	[hbm4b:s20+s10] =	stream.strided.scatter [tilespmem:s19], [sflag:$0x2], $0x400, s13, s10, $0x38;
	[tilespmem:$0xC080] =	vst v63  }
0x7f: {  	s19 =	sadd.s32 $0x880, s15;
	s20 =	sadd.s32 $0x20, s16  }
0x80: {  	[hbm4b:s20+s10] =	stream.strided.scatter [tilespmem:s19], [sflag:$0x2], $0x400, s13, s10, $0x38;
	[tilespmem:$0xC080] =	vst v63  }
0x81: {  	s14 =	sadd.s32 $0x1, s14;
	s19 =	sadd.s32 $0xC80, s15;
	s20 =	sadd.s32 $0x30, s16  }
0x82: {  	[hbm4b:s20+s10] =	stream.strided.scatter [tilespmem:s19], [sflag:$0x2], $0x400, s13, s10, $0x38;
	[tilespmem:$0xC080] =	vst v63  }
0x83: {  	p0 =	sne.s32 s14, s8;
	s19 =	sadd.s32 $0x1080, s15;
	s20 =	sadd.s32 $0x40, s16  }
0x84: {  	[hbm4b:s20+s10] =	stream.strided.scatter [tilespmem:s19], [sflag:$0x2], $0x400, s13, s10, $0x38;
	[tilespmem:$0xC080] =	vst v63  }
.Ltmp1:
0x85: {  	s19 =	sadd.s32 $0x1480, s15;
	s20 =	sadd.s32 $0x50, s16;
	(pc) =	sbr.rel @p0 .LBB2_1-.Ltmp1, $4  }
0x86: {  	[hbm4b:s20+s10] =	stream.strided.scatter [tilespmem:s19], [sflag:$0x2], $0x400, s13, s10, $0x38;
	[tilespmem:$0xC080] =	vst v63  }
0x87: {  	_ =	swait.ge [sflag:s9], $0xC000  }
0x88: {  	[sflag:s9] =	ssyncset.done $0x0  }
0x89: {  	[sflag:s9] =	ssyncadd.s32 $0xFFFF4000  }
0x8a: {  	_ =	sfence.sel $0x180000  }
0x8b: {  	[bflag:$0x0] =	sbarrier.arrive $0xFFFF  }
0x8c: {  	_ =	strace $0x9000004A  }
0x8d: {  	s0 =	stileid.u32;
	[bflag:$0x2] =	sbarrier.arrive $0xFFFF  }
0x8e: {  	p0 =	sne.s32 s0, $0x0;
	s0 =	rddreg [dreg:$0x2]  }
0x8f: {  	s0 =	sadd.s32 @!p0 $0x100000, s0  }
0x90: {  	[sflag:s0] =	ssyncadd.tile.s32 @!p0 $0x1;
	_ =	shalt  }
.Lfunc_end2:
_tile_overlayer_lowered:
.L_overlay_start_2:
0x91: {  	(tag) =	ssettag $0x2  }
0x92: {  	s0 =	rddreg [dreg:$0x0];
	s2 =	stileid.u32  }
0x93: {  	s1 =	rddreg [dreg:$0x1];
	p0 =	sne.s32 s2, $0x0  }
0x94: {  	s3 =	rddreg [dreg:$0x2];
	[bflag:$0x3] =	sbarrier.arrive $0xFFFF;
	s2 =	simm.s32 @!p0 $0x1C02  }
0x95: {  	[timem:s3], [sflag:s2] =	dma.local @!p0 [hbm:s0], s1  }
0x96: {  	s0 =	simm.s32 @!p0 $0x2  }
0x97: {  	_ =	swait.ge @!p0 [sflag:s0], s1  }
0x98: {  	s1 =	ssub.s32 @!p0 $0x0, s1;
	[sflag:s0] =	ssyncset.done @!p0 $0x0  }
0x99: {  	[sflag:s0] =	ssyncadd.s32 @!p0 s1  }
0x9a: {  	[bflag:$0x3] =	sbarrier.arrive $0xFFFF  }
0x9b: {  	_ =	shalt  }

</sc_bundles>
